<compile_context>
chip_gen: v7x
topology: tpu7x:2x2x1
jax: 0.10.2.dev20260603
libtpu: 0.0.44.dev20260713+nightly
codegen_flags: <defaults>
</compile_context>

<pallas_src>
import dataclasses
import functools

import jax
import jax.numpy as jnp
from jax import lax
from jax.experimental import pallas as pl
from jax.experimental.pallas import tpu as pltpu
from jax.experimental.pallas import tpu_sc as plsc

N = 10000
NP = 10240
D = 128
E = 320000
NC = 2
NS = 16
NW = NC * NS
EPW = E // NW
CW = 72
NCHUNK = EPW // CW
TAIL = EPW - NCHUNK * CW
RPT = NP // NS
F32 = jnp.float32


def _vmesh():
    return plsc.VectorSubcoreMesh(core_axis_name="c", subcore_axis_name="s")


def _sc_params():
    cp = pltpu.CompilerParams()
    if "needs_layout_passes" in pltpu.CompilerParams.__dataclass_fields__:
        cp = dataclasses.replace(cp, needs_layout_passes=False)
    return cp


@functools.partial(
    pl.kernel,
    out_type=jax.ShapeDtypeStruct((NW, N), F32),
    mesh=_vmesh(),
    compiler_params=_sc_params(),
    scratch_types=[
        pltpu.VMEM((EPW,), jnp.int32),
        pltpu.VMEM((N,), F32),
    ],
)
def _deg_kernel(dst_hbm, out_hbm, dst_v, hist_v):
    cid = lax.axis_index("c")
    sid = lax.axis_index("s")
    wid = cid * NS + sid

    pltpu.sync_copy(dst_hbm.at[pl.ds(wid * EPW, EPW)], dst_v)

    @pl.loop(0, N // 16)
    def _(i):
        hist_v[pl.ds(i * 16, 16)] = jnp.zeros((16,), F32)

    ones16 = jnp.ones((16,), F32)

    @pl.loop(0, EPW // 16)
    def _(i):
        idx16 = dst_v[pl.ds(i * 16, 16)]
        plsc.addupdate_scatter(hist_v, [idx16], ones16)

    pltpu.sync_copy(hist_v, out_hbm.at[wid])


@functools.partial(
    pl.kernel,
    out_type=jax.ShapeDtypeStruct((NC, NP, D), F32),
    mesh=_vmesh(),
    scratch_types=[
        pltpu.VMEM((EPW,), jnp.int32),
        pltpu.VMEM((EPW,), jnp.int32),
        pltpu.VMEM((CW, D), F32),
        pltpu.VMEM((CW, D), F32),
        pltpu.VMEM((CW, D), F32),
        pltpu.VMEM_SHARED((NP, D), F32),
        pltpu.SemaphoreType.DMA,
        pltpu.SemaphoreType.DMA,
        pltpu.SemaphoreType.DMA,
        pltpu.SemaphoreType.DMA,
        pltpu.SemaphoreType.DMA,
        pltpu.SemaphoreType.DMA,
    ],
)
def _agg_kernel(h_hbm, src_hbm, dst_hbm, zeros_hbm, out_hbm,
                src_v, dst_v, rows_a, rows_b, rows_c, acc,
                sga, sgb, sgc, sza, szb, szc):
    cid = lax.axis_index("c")
    sid = lax.axis_index("s")
    wid = cid * NS + sid

    pltpu.sync_copy(src_hbm.at[pl.ds(wid * EPW, EPW)], src_v)
    pltpu.sync_copy(dst_hbm.at[pl.ds(wid * EPW, EPW)], dst_v)
    pltpu.sync_copy(zeros_hbm.at[pl.ds(sid * RPT, RPT)],
                    acc.at[pl.ds(sid * RPT, RPT)])
    plsc.subcore_barrier()

    def gs(c, buf, sem):
        pltpu.async_copy(h_hbm.at[src_v.at[pl.ds(c * CW, CW)]], buf, sem)

    def gw(c, buf, sem):
        pltpu.make_async_copy(h_hbm.at[src_v.at[pl.ds(c * CW, CW)]], buf, sem).wait()

    def zs(c, buf, sem):
        pltpu.async_copy(buf, acc.at[dst_v.at[pl.ds(c * CW, CW)]], sem, add=True)

    def zw(c, buf, sem):
        pltpu.make_async_copy(buf, acc.at[dst_v.at[pl.ds(c * CW, CW)]], sem).wait()

    gs(0, rows_a, sga)
    gs(1, rows_b, sgb)
    gs(2, rows_c, sgc)

    @pl.loop(0, NCHUNK // 3)
    def _(i):
        c0 = 3 * i
        c1 = c0 + 1
        c2 = c0 + 2
        n0 = jnp.where(c0 + 3 < NCHUNK, c0 + 3, 0)
        n1 = jnp.where(c1 + 3 < NCHUNK, c1 + 3, 0)
        n2 = jnp.where(c2 + 3 < NCHUNK, c2 + 3, 0)
        gw(c0, rows_a, sga)
        zs(c0, rows_a, sza)
        gw(c1, rows_b, sgb)
        zs(c1, rows_b, szb)
        zw(c0, rows_a, sza)
        gs(n0, rows_a, sga)
        gw(c2, rows_c, sgc)
        zs(c2, rows_c, szc)
        zw(c1, rows_b, szb)
        gs(n1, rows_b, sgb)
        zw(c2, rows_c, szc)
        gs(n2, rows_c, sgc)

    gw(0, rows_a, sga)
    gw(0, rows_b, sgb)
    gw(0, rows_c, sgc)

    tb = NCHUNK * CW
    pltpu.async_copy(h_hbm.at[src_v.at[pl.ds(tb, TAIL)]],
                     rows_a.at[pl.ds(0, TAIL)], sga)
    pltpu.make_async_copy(h_hbm.at[src_v.at[pl.ds(tb, TAIL)]],
                          rows_a.at[pl.ds(0, TAIL)], sga).wait()
    pltpu.sync_copy(rows_a.at[pl.ds(0, TAIL)],
                    acc.at[dst_v.at[pl.ds(tb, TAIL)]], add=True)

    plsc.subcore_barrier()
    pltpu.sync_copy(acc.at[pl.ds(sid * RPT, RPT)],
                    out_hbm.at[cid].at[pl.ds(sid * RPT, RPT)])


_BLK = 1024
_GRID = pl.cdiv(N, _BLK)


def _dv(deg_ref):
    return lax.rsqrt(jnp.sum(deg_ref[...], axis=0) + 1.0)[:, None]


def _mm_scale_body(x_ref, w_ref, deg_ref, h_ref):
    h = jnp.dot(x_ref[...], w_ref[...], preferred_element_type=F32)
    h_ref[...] = h * _dv(deg_ref)


def _tc_mm_scale(x, W1t, deg):
    return pl.pallas_call(
        _mm_scale_body,
        grid=(_GRID,),
        in_specs=[
            pl.BlockSpec((_BLK, D), lambda i: (i, 0)),
            pl.BlockSpec((D, D), lambda i: (0, 0)),
            pl.BlockSpec((NW, _BLK), lambda i: (0, i)),
        ],
        out_specs=pl.BlockSpec((_BLK, D), lambda i: (i, 0)),
        out_shape=jax.ShapeDtypeStruct((N, D), F32),
    )(x, W1t, deg)


def _mid_body(acc_ref, h_ref, deg_ref, w_ref, b_ref, o_ref):
    dv = _dv(deg_ref)
    a = acc_ref[...]
    z = dv * (a[0] + a[1] + h_ref[...]) + b_ref[...]
    z = jnp.maximum(z, 0.0)
    o_ref[...] = jnp.dot(z, w_ref[...], preferred_element_type=F32) * dv


def _tc_mid(acc, h1p, deg, W2t, b1r):
    return pl.pallas_call(
        _mid_body,
        grid=(_GRID,),
        in_specs=[
            pl.BlockSpec((NC, _BLK, D), lambda i: (0, i, 0)),
            pl.BlockSpec((_BLK, D), lambda i: (i, 0)),
            pl.BlockSpec((NW, _BLK), lambda i: (0, i)),
            pl.BlockSpec((D, D), lambda i: (0, 0)),
            pl.BlockSpec((1, D), lambda i: (0, 0)),
        ],
        out_specs=pl.BlockSpec((_BLK, D), lambda i: (i, 0)),
        out_shape=jax.ShapeDtypeStruct((N, D), F32),
    )(acc, h1p, deg, W2t, b1r)


def _out_body(acc_ref, h_ref, deg_ref, b_ref, o_ref):
    a = acc_ref[...]
    o_ref[...] = _dv(deg_ref) * (a[0] + a[1] + h_ref[...]) + b_ref[...]


def _tc_out(acc, h2p, deg, b2r):
    return pl.pallas_call(
        _out_body,
        grid=(_GRID,),
        in_specs=[
            pl.BlockSpec((NC, _BLK, D), lambda i: (0, i, 0)),
            pl.BlockSpec((_BLK, D), lambda i: (i, 0)),
            pl.BlockSpec((NW, _BLK), lambda i: (0, i)),
            pl.BlockSpec((1, D), lambda i: (0, 0)),
        ],
        out_specs=pl.BlockSpec((_BLK, D), lambda i: (i, 0)),
        out_shape=jax.ShapeDtypeStruct((N, D), F32),
    )(acc, h2p, deg, b2r)


def kernel(x, edge_index, W1, b1, W2, b2):
    src = edge_index[0].astype(jnp.int32)
    dst = edge_index[1].astype(jnp.int32)
    W1t = W1.T.astype(F32)
    W2t = W2.T.astype(F32)
    b1r = b1.reshape(1, D)
    b2r = b2.reshape(1, D)
    zeros_acc = jnp.zeros((NP, D), F32)

    deg = _deg_kernel(dst)
    h1p = _tc_mm_scale(x, W1t, deg)
    acc1 = _agg_kernel(h1p, src, dst, zeros_acc)
    h2p = _tc_mid(acc1, h1p, deg, W2t, b1r)
    acc2 = _agg_kernel(h2p, src, dst, zeros_acc)
    out = _tc_out(acc2, h2p, deg, b2r)
    return out

# --- scband reference (transcript-rebuilt; emitter-appended) ---
"""Pipeline reference for scband-encoder-12463995093415 (READ-ONLY COPY).

The authoritative reference and input builder live on the scoring server;
editing this copy changes nothing except your own understanding.
"""

import jax, jax.numpy as jnp
import numpy as np

N_NODES = 10000
N_EDGES = 320000
D_IN = 128
D_HID = 128


def setup_inputs(seed: int = 0) -> dict:
    key = jax.random.key(seed)
    k1, k2, k3, k4, k5, k6, k7 = jax.random.split(key, 7)
    x = jax.random.normal(k1, (N_NODES, D_IN), dtype=jnp.float32)
    edge_index = jax.random.randint(k2, (2, N_EDGES), 0, N_NODES, dtype=jnp.int64)
    # Glorot-style init for GCN linear weights (as in PyG GCNConv)
    s1 = (6.0 / (D_IN + D_HID)) ** 0.5
    W1 = jax.random.uniform(k3, (D_HID, D_IN), minval=-s1, maxval=s1, dtype=jnp.float32)
    b1 = jnp.zeros((D_HID,), dtype=jnp.float32)
    s2 = (6.0 / (D_HID + D_HID)) ** 0.5
    W2 = jax.random.uniform(k4, (D_HID, D_HID), minval=-s2, maxval=s2, dtype=jnp.float32)
    b2 = jnp.zeros((D_HID,), dtype=jnp.float32)
    return {"x": x, "edge_index": edge_index, "W1": W1, "b1": b1, "W2": W2, "b2": b2}


def _gcn_conv(x, src, dst, W, b):
    # GCNConv (PyG semantics): linear transform, then sym-normalized
    # aggregation with self-loops already appended to (src, dst).
    n = x.shape[0]
    h = x @ W.T
    deg = jnp.zeros((n,), dtype=h.dtype).at[dst].add(1.0)
    dinv = jnp.where(deg > 0, deg ** -0.5, 0.0)
    norm = dinv[src] * dinv[dst]
    msg = h[src] * norm[:, None]
    out = jnp.zeros_like(h).at[dst].add(msg)
    return out + b


def reference(x, edge_index, W1, b1, W2, b2):
    n = x.shape[0]
    loop = jnp.arange(n, dtype=edge_index.dtype)
    src = jnp.concatenate([edge_index[0], loop])
    dst = jnp.concatenate([edge_index[1], loop])
    h = _gcn_conv(x, src, dst, W1, b1)
    h = jax.nn.relu(h)
    out = _gcn_conv(h, src, dst, W2, b2)
    return out

if __name__ == "__main__":
    import jax
    _d = setup_inputs()
    print(jax.jit(kernel)(*tuple(_d.values())))

</pallas_src>

<mosaic_0001>
#map = affine_map<(d0, d1) -> (0)>
#map1 = affine_map<(d0, d1) -> (0, 0)>
module attributes {stable_mosaic.version = 14 : i64} {
  func.func @_deg_kernel(%arg0: i32, %arg1: i32, %arg2: memref<320000xi32, #tpu.memory_space<hbm>>, %arg3: memref<32x10000xf32, #tpu.memory_space<hbm>>, %arg4: memref<10000xi32, #tpu.memory_space<vmem>>, %arg5: memref<10000xf32, #tpu.memory_space<vmem>>) attributes {dimension_semantics = [#tpu.dimension_semantics<core_parallel>, #tpu.dimension_semantics<subcore_parallel>], iteration_bounds = array<i64: 2, 16>, scalar_prefetch = 0 : i64, scratch_operands = 2 : i64, tpu.core_type = #tpu.core_type<sc_vector_subcore>, window_params = [{transform_indices = #map}, {transform_indices = #map1}]} {
    %mul3A = arith.constant 16 : i32
    %mul3A_0 = arith.muli %arg0, %mul3A : i32
    %add3A = arith.addi %mul3A_0, %arg1 : i32
    %mul3A_1 = arith.constant 10000 : i32
    %mul3A_2 = arith.muli %add3A, %mul3A_1 : i32
    "tpu.region"() ({
      %run_scoped3A = tpu.sem_alloc : memref<!tpu.dma_semaphore, #tpu.memory_space<semaphore_mem>>
      %dma_start3A = tpu.memref_slice %arg2[%mul3A_2] : memref<320000xi32, #tpu.memory_space<hbm>> -> memref<10000xi32, #tpu.memory_space<hbm>>
      %dma_start3A_13 = tpu.memref_slice %arg2[%mul3A_2] : memref<320000xi32, #tpu.memory_space<hbm>> -> memref<10000xi32, #tpu.memory_space<hbm>>
      tpu.enqueue_dma source(%dma_start3A_13 : memref<10000xi32, #tpu.memory_space<hbm>>) target(%arg4 : memref<10000xi32, #tpu.memory_space<vmem>>) target_semaphore(%run_scoped3A : memref<!tpu.dma_semaphore, #tpu.memory_space<semaphore_mem>>)
      %dma_wait3A = tpu.memref_slice %arg2[%mul3A_2] : memref<320000xi32, #tpu.memory_space<hbm>> -> memref<10000xi32, #tpu.memory_space<hbm>>
      %dma_wait3A_14 = tpu.memref_slice %arg2[%mul3A_2] : memref<320000xi32, #tpu.memory_space<hbm>> -> memref<10000xi32, #tpu.memory_space<hbm>>
      tpu.wait_dma2 semaphore(%run_scoped3A : memref<!tpu.dma_semaphore, #tpu.memory_space<semaphore_mem>>) src(%dma_wait3A_14 : memref<10000xi32, #tpu.memory_space<hbm>>) dst(%arg4 : memref<10000xi32, #tpu.memory_space<vmem>>)
      tpu.yield
    }) : () -> ()
    %scan3A = arith.constant 0 : i32
    %scan3A_3 = arith.constant 625 : i32
    %scan3A_4 = arith.addi %scan3A, %scan3A_3 : i32
    %scan3A_5 = arith.constant 1 : i32
    scf.for %scan3A_13 = %scan3A to %scan3A_4 step %scan3A_5  : i32 {
      %mul3A_14 = arith.constant 1 : i32
      %mul3A_15 = arith.muli %scan3A_13, %mul3A_14 : i32
      %add3A_16 = arith.constant 0 : i32
      %add3A_17 = arith.addi %add3A_16, %mul3A_15 : i32
      %broadcast_in_dim3A_18 = arith.constant 0.000000e+00 : f32
      %broadcast_in_dim3A_19 = vector.broadcast %broadcast_in_dim3A_18 : f32 to vector<16xf32>
      %mul3A_20 = arith.constant 16 : i32
      %mul3A_21 = arith.muli %add3A_17, %mul3A_20 : i32
      %swap3A = arith.index_cast %mul3A_21 : i32 to index
      %swap3A_22 = tpu.vector_load %arg5[%swap3A] {strides = array<i32>} : memref<10000xf32, #tpu.memory_space<vmem>>, vector<16xf32>,
      tpu.vector_store %arg5[%swap3A], %broadcast_in_dim3A_19 {strides = array<i32>} : memref<10000xf32, #tpu.memory_space<vmem>>, vector<16xf32>,
    }
    %scan3A_6 = arith.constant 625 : i32
    %broadcast_in_dim3A = arith.constant 1.000000e+00 : f32
    %broadcast_in_dim3A_7 = vector.broadcast %broadcast_in_dim3A : f32 to vector<16xf32>
    %scan3A_8 = arith.constant 0 : i32
    %scan3A_9 = arith.constant 625 : i32
    %scan3A_10 = arith.addi %scan3A_8, %scan3A_9 : i32
    %scan3A_11 = arith.constant 1 : i32
    scf.for %scan3A_13 = %scan3A_8 to %scan3A_10 step %scan3A_11  : i32 {
      %mul3A_14 = arith.constant 1 : i32
      %mul3A_15 = arith.muli %scan3A_13, %mul3A_14 : i32
      %add3A_16 = arith.constant 0 : i32
      %add3A_17 = arith.addi %add3A_16, %mul3A_15 : i32
      %mul3A_18 = arith.constant 16 : i32
      %mul3A_19 = arith.muli %add3A_17, %mul3A_18 : i32
      %get3A = arith.index_cast %mul3A_19 : i32 to index
      %get3A_20 = tpu.vector_load %arg4[%get3A] {strides = array<i32>} : memref<10000xi32, #tpu.memory_space<vmem>>, vector<16xi32>,
      tpu.vector_store_idx %arg5[%get3A_20], %broadcast_in_dim3A_7 {add = true} : memref<10000xf32, #tpu.memory_space<vmem>>[vector<16xi32>], vector<16xf32>,
    }
    %scan3A_12 = arith.constant 625 : i32
    "tpu.region"() ({
      %run_scoped3A = tpu.sem_alloc : memref<!tpu.dma_semaphore, #tpu.memory_space<semaphore_mem>>
      %dma_start3A = arith.constant 0 : i32
      %dma_start3A_13 = tpu.memref_slice %arg3[%add3A, %dma_start3A] : memref<32x10000xf32, #tpu.memory_space<hbm>> -> memref<1x10000xf32, #tpu.memory_space<hbm>>
      %dma_start3A_14 = tpu.memref_squeeze %dma_start3A_13 : memref<1x10000xf32, #tpu.memory_space<hbm>> -> memref<10000xf32, #tpu.memory_space<hbm>>
      %dma_start3A_15 = arith.constant 0 : i32
      %dma_start3A_16 = tpu.memref_slice %arg3[%add3A, %dma_start3A_15] : memref<32x10000xf32, #tpu.memory_space<hbm>> -> memref<1x10000xf32, #tpu.memory_space<hbm>>
      %dma_start3A_17 = tpu.memref_squeeze %dma_start3A_16 : memref<1x10000xf32, #tpu.memory_space<hbm>> -> memref<10000xf32, #tpu.memory_space<hbm>>
      tpu.enqueue_dma source(%arg5 : memref<10000xf32, #tpu.memory_space<vmem>>) target(%dma_start3A_17 : memref<10000xf32, #tpu.memory_space<hbm>>) target_semaphore(%run_scoped3A : memref<!tpu.dma_semaphore, #tpu.memory_space<semaphore_mem>>)
      %dma_wait3A = arith.constant 0 : i32
      %dma_wait3A_18 = tpu.memref_slice %arg3[%add3A, %dma_wait3A] : memref<32x10000xf32, #tpu.memory_space<hbm>> -> memref<1x10000xf32, #tpu.memory_space<hbm>>
      %dma_wait3A_19 = tpu.memref_squeeze %dma_wait3A_18 : memref<1x10000xf32, #tpu.memory_space<hbm>> -> memref<10000xf32, #tpu.memory_space<hbm>>
      %dma_wait3A_20 = arith.constant 0 : i32
      %dma_wait3A_21 = tpu.memref_slice %arg3[%add3A, %dma_wait3A_20] : memref<32x10000xf32, #tpu.memory_space<hbm>> -> memref<1x10000xf32, #tpu.memory_space<hbm>>
      %dma_wait3A_22 = tpu.memref_squeeze %dma_wait3A_21 : memref<1x10000xf32, #tpu.memory_space<hbm>> -> memref<10000xf32, #tpu.memory_space<hbm>>
      tpu.wait_dma2 semaphore(%run_scoped3A : memref<!tpu.dma_semaphore, #tpu.memory_space<semaphore_mem>>) src(%arg5 : memref<10000xf32, #tpu.memory_space<vmem>>) dst(%dma_wait3A_22 : memref<10000xf32, #tpu.memory_space<hbm>>)
      tpu.yield
    }) : () -> ()
    return
  }
}

#map = affine_map<(d0, d1) -> (0, 0)>
#map1 = affine_map<(d0, d1) -> (0)>
#map2 = affine_map<(d0, d1) -> (0, 0, 0)>
module attributes {stable_mosaic.version = 14 : i64} {
  func.func @_agg_kernel(%arg0: i32, %arg1: i32, %arg2: memref<10000x128xf32, #tpu.memory_space<hbm>>, %arg3: memref<320000xi32, #tpu.memory_space<hbm>>, %arg4: memref<320000xi32, #tpu.memory_space<hbm>>, %arg5: memref<10240x128xf32, #tpu.memory_space<hbm>>, %arg6: memref<2x10240x128xf32, #tpu.memory_space<hbm>>, %arg7: memref<10000xi32, #tpu.memory_space<vmem>>, %arg8: memref<10000xi32, #tpu.memory_space<vmem>>, %arg9: memref<72x128xf32, #tpu.memory_space<vmem>>, %arg10: memref<72x128xf32, #tpu.memory_space<vmem>>, %arg11: memref<72x128xf32, #tpu.memory_space<vmem>>, %arg12: memref<10240x128xf32, #tpu.memory_space<vmem_shared>>, %arg13: memref<!tpu.dma_semaphore, #tpu.memory_space<semaphore_mem>>, %arg14: memref<!tpu.dma_semaphore, #tpu.memory_space<semaphore_mem>>, %arg15: memref<!tpu.dma_semaphore, #tpu.memory_space<semaphore_mem>>, %arg16: memref<!tpu.dma_semaphore, #tpu.memory_space<semaphore_mem>>, %arg17: memref<!tpu.dma_semaphore, #tpu.memory_space<semaphore_mem>>, %arg18: memref<!tpu.dma_semaphore, #tpu.memory_space<semaphore_mem>>) attributes {dimension_semantics = [#tpu.dimension_semantics<core_parallel>, #tpu.dimension_semantics<subcore_parallel>], iteration_bounds = array<i64: 2, 16>, scalar_prefetch = 0 : i64, scratch_operands = 12 : i64, tpu.core_type = #tpu.core_type<sc_vector_subcore>, window_params = [{transform_indices = #map}, {transform_indices = #map1}, {transform_indices = #map1}, {transform_indices = #map}, {transform_indices = #map2}]} {
    %mul3A = arith.constant 16 : i32
    %mul3A_0 = arith.muli %arg0, %mul3A : i32
    %add3A = arith.addi %mul3A_0, %arg1 : i32
    %mul3A_1 = arith.constant 10000 : i32
    %mul3A_2 = arith.muli %add3A, %mul3A_1 : i32
    "tpu.region"() ({
      %run_scoped3A = tpu.sem_alloc : memref<!tpu.dma_semaphore, #tpu.memory_space<semaphore_mem>>
      %dma_start3A_62 = tpu.memref_slice %arg3[%mul3A_2] : memref<320000xi32, #tpu.memory_space<hbm>> -> memref<10000xi32, #tpu.memory_space<hbm>>
      %dma_start3A_63 = tpu.memref_slice %arg3[%mul3A_2] : memref<320000xi32, #tpu.memory_space<hbm>> -> memref<10000xi32, #tpu.memory_space<hbm>>
      tpu.enqueue_dma source(%dma_start3A_63 : memref<10000xi32, #tpu.memory_space<hbm>>) target(%arg7 : memref<10000xi32, #tpu.memory_space<vmem>>) target_semaphore(%run_scoped3A : memref<!tpu.dma_semaphore, #tpu.memory_space<semaphore_mem>>)
      %dma_wait3A_64 = tpu.memref_slice %arg3[%mul3A_2] : memref<320000xi32, #tpu.memory_space<hbm>> -> memref<10000xi32, #tpu.memory_space<hbm>>
      %dma_wait3A_65 = tpu.memref_slice %arg3[%mul3A_2] : memref<320000xi32, #tpu.memory_space<hbm>> -> memref<10000xi32, #tpu.memory_space<hbm>>
      tpu.wait_dma2 semaphore(%run_scoped3A : memref<!tpu.dma_semaphore, #tpu.memory_space<semaphore_mem>>) src(%dma_wait3A_65 : memref<10000xi32, #tpu.memory_space<hbm>>) dst(%arg7 : memref<10000xi32, #tpu.memory_space<vmem>>)
      tpu.yield
    }) : () -> ()
    %mul3A_3 = arith.constant 10000 : i32
    %mul3A_4 = arith.muli %add3A, %mul3A_3 : i32
    "tpu.region"() ({
      %run_scoped3A = tpu.sem_alloc : memref<!tpu.dma_semaphore, #tpu.memory_space<semaphore_mem>>
      %dma_start3A_62 = tpu.memref_slice %arg4[%mul3A_4] : memref<320000xi32, #tpu.memory_space<hbm>> -> memref<10000xi32, #tpu.memory_space<hbm>>
      %dma_start3A_63 = tpu.memref_slice %arg4[%mul3A_4] : memref<320000xi32, #tpu.memory_space<hbm>> -> memref<10000xi32, #tpu.memory_space<hbm>>
      tpu.enqueue_dma source(%dma_start3A_63 : memref<10000xi32, #tpu.memory_space<hbm>>) target(%arg8 : memref<10000xi32, #tpu.memory_space<vmem>>) target_semaphore(%run_scoped3A : memref<!tpu.dma_semaphore, #tpu.memory_space<semaphore_mem>>)
      %dma_wait3A_64 = tpu.memref_slice %arg4[%mul3A_4] : memref<320000xi32, #tpu.memory_space<hbm>> -> memref<10000xi32, #tpu.memory_space<hbm>>
      %dma_wait3A_65 = tpu.memref_slice %arg4[%mul3A_4] : memref<320000xi32, #tpu.memory_space<hbm>> -> memref<10000xi32, #tpu.memory_space<hbm>>
      tpu.wait_dma2 semaphore(%run_scoped3A : memref<!tpu.dma_semaphore, #tpu.memory_space<semaphore_mem>>) src(%dma_wait3A_65 : memref<10000xi32, #tpu.memory_space<hbm>>) dst(%arg8 : memref<10000xi32, #tpu.memory_space<vmem>>)
      tpu.yield
    }) : () -> ()
    %mul3A_5 = arith.constant 640 : i32
    %mul3A_6 = arith.muli %arg1, %mul3A_5 : i32
    %mul3A_7 = arith.constant 640 : i32
    %mul3A_8 = arith.muli %arg1, %mul3A_7 : i32
    "tpu.region"() ({
      %run_scoped3A = tpu.sem_alloc : memref<!tpu.dma_semaphore, #tpu.memory_space<semaphore_mem>>
      %dma_start3A_62 = arith.constant 0 : i32
      %dma_start3A_63 = tpu.memref_slice %arg12[%mul3A_8, %dma_start3A_62] : memref<10240x128xf32, #tpu.memory_space<vmem_shared>> -> memref<640x128xf32, #tpu.memory_space<vmem_shared>>
      %dma_start3A_64 = arith.constant 0 : i32
      %dma_start3A_65 = tpu.memref_slice %arg5[%mul3A_6, %dma_start3A_64] : memref<10240x128xf32, #tpu.memory_space<hbm>> -> memref<640x128xf32, #tpu.memory_space<hbm>>
      tpu.enqueue_dma source(%dma_start3A_65 : memref<640x128xf32, #tpu.memory_space<hbm>>) target(%dma_start3A_63 : memref<640x128xf32, #tpu.memory_space<vmem_shared>>) target_semaphore(%run_scoped3A : memref<!tpu.dma_semaphore, #tpu.memory_space<semaphore_mem>>)
      %dma_wait3A_66 = arith.constant 0 : i32
      %dma_wait3A_67 = tpu.memref_slice %arg12[%mul3A_8, %dma_wait3A_66] : memref<10240x128xf32, #tpu.memory_space<vmem_shared>> -> memref<640x128xf32, #tpu.memory_space<vmem_shared>>
      %dma_wait3A_68 = arith.constant 0 : i32
      %dma_wait3A_69 = tpu.memref_slice %arg5[%mul3A_6, %dma_wait3A_68] : memref<10240x128xf32, #tpu.memory_space<hbm>> -> memref<640x128xf32, #tpu.memory_space<hbm>>
      tpu.wait_dma2 semaphore(%run_scoped3A : memref<!tpu.dma_semaphore, #tpu.memory_space<semaphore_mem>>) src(%dma_wait3A_69 : memref<640x128xf32, #tpu.memory_space<hbm>>) dst(%dma_wait3A_67 : memref<640x128xf32, #tpu.memory_space<vmem_shared>>)
      tpu.yield
    }) : () -> ()
    %barrier3A = arith.constant 0 : index
    tpu.barrier barrier_id(%barrier3A)
    %dma_start3A = arith.constant 0 : i32
    %dma_start3A_9 = tpu.memref_slice %arg7[%dma_start3A] : memref<10000xi32, #tpu.memory_space<vmem>> -> memref<72xi32, #tpu.memory_space<vmem>>
    %dma_start3A_10 = arith.constant 0 : i32
    %dma_start3A_11 = arith.constant 0 : i32
    %dma_start3A_12 = tpu.memref_slice %arg2[%dma_start3A_10, %dma_start3A_11] : memref<10000x128xf32, #tpu.memory_space<hbm>> -> memref<10000x128xf32, #tpu.memory_space<hbm>>
    tpu.enqueue_indirect_dma source(%dma_start3A_12 : memref<10000x128xf32, #tpu.memory_space<hbm>>) target(%arg9 : memref<72x128xf32, #tpu.memory_space<vmem>>) offsets(%dma_start3A_9 : memref<72xi32, #tpu.memory_space<vmem>>) semaphore(%arg13 : memref<!tpu.dma_semaphore, #tpu.memory_space<semaphore_mem>>)
    %dma_start3A_13 = arith.constant 72 : i32
    %dma_start3A_14 = tpu.memref_slice %arg7[%dma_start3A_13] : memref<10000xi32, #tpu.memory_space<vmem>> -> memref<72xi32, #tpu.memory_space<vmem>>
    %dma_start3A_15 = arith.constant 0 : i32
    %dma_start3A_16 = arith.constant 0 : i32
    %dma_start3A_17 = tpu.memref_slice %arg2[%dma_start3A_15, %dma_start3A_16] : memref<10000x128xf32, #tpu.memory_space<hbm>> -> memref<10000x128xf32, #tpu.memory_space<hbm>>
    tpu.enqueue_indirect_dma source(%dma_start3A_17 : memref<10000x128xf32, #tpu.memory_space<hbm>>) target(%arg10 : memref<72x128xf32, #tpu.memory_space<vmem>>) offsets(%dma_start3A_14 : memref<72xi32, #tpu.memory_space<vmem>>) semaphore(%arg14 : memref<!tpu.dma_semaphore, #tpu.memory_space<semaphore_mem>>)
    %dma_start3A_18 = arith.constant 144 : i32
    %dma_start3A_19 = tpu.memref_slice %arg7[%dma_start3A_18] : memref<10000xi32, #tpu.memory_space<vmem>> -> memref<72xi32, #tpu.memory_space<vmem>>
    %dma_start3A_20 = arith.constant 0 : i32
    %dma_start3A_21 = arith.constant 0 : i32
    %dma_start3A_22 = tpu.memref_slice %arg2[%dma_start3A_20, %dma_start3A_21] : memref<10000x128xf32, #tpu.memory_space<hbm>> -> memref<10000x128xf32, #tpu.memory_space<hbm>>
    tpu.enqueue_indirect_dma source(%dma_start3A_22 : memref<10000x128xf32, #tpu.memory_space<hbm>>) target(%arg11 : memref<72x128xf32, #tpu.memory_space<vmem>>) offsets(%dma_start3A_19 : memref<72xi32, #tpu.memory_space<vmem>>) semaphore(%arg15 : memref<!tpu.dma_semaphore, #tpu.memory_space<semaphore_mem>>)
    %scan3A = arith.constant 0 : i32
    %scan3A_23 = arith.constant 46 : i32
    %scan3A_24 = arith.addi %scan3A, %scan3A_23 : i32
    %scan3A_25 = arith.constant 1 : i32
    scf.for %scan3A_62 = %scan3A to %scan3A_24 step %scan3A_25  : i32 {
      %mul3A_63 = arith.constant 1 : i32
      %mul3A_64 = arith.muli %scan3A_62, %mul3A_63 : i32
      %add3A_65 = arith.constant 0 : i32
      %add3A_66 = arith.addi %add3A_65, %mul3A_64 : i32
      %mul3A_67 = arith.constant 3 : i32
      %mul3A_68 = arith.muli %mul3A_67, %add3A_66 : i32
      %add3A_69 = arith.constant 1 : i32
      %add3A_70 = arith.addi %mul3A_68, %add3A_69 : i32
      %add3A_71 = arith.constant 2 : i32
      %add3A_72 = arith.addi %mul3A_68, %add3A_71 : i32
      %add3A_73 = arith.constant 3 : i32
      %add3A_74 = arith.addi %mul3A_68, %add3A_73 : i32
      %lt3A = arith.constant 138 : i32
      %lt3A_75 = arith.cmpi slt, %add3A_74, %lt3A : i32
      %add3A_76 = arith.constant 3 : i32
      %add3A_77 = arith.addi %mul3A_68, %add3A_76 : i32
      %jit3A = arith.constant 0 : i32
      %select_n3A = arith.select %lt3A_75, %add3A_77, %jit3A : i32
      %add3A_78 = arith.constant 3 : i32
      %add3A_79 = arith.addi %add3A_70, %add3A_78 : i32
      %lt3A_80 = arith.constant 138 : i32
      %lt3A_81 = arith.cmpi slt, %add3A_79, %lt3A_80 : i32
      %add3A_82 = arith.constant 3 : i32
      %add3A_83 = arith.addi %add3A_70, %add3A_82 : i32
      %jit3A_84 = arith.constant 0 : i32
      %select_n3A_85 = arith.select %lt3A_81, %add3A_83, %jit3A_84 : i32
      %add3A_86 = arith.constant 3 : i32
      %add3A_87 = arith.addi %add3A_72, %add3A_86 : i32
      %lt3A_88 = arith.constant 138 : i32
      %lt3A_89 = arith.cmpi slt, %add3A_87, %lt3A_88 : i32
      %add3A_90 = arith.constant 3 : i32
      %add3A_91 = arith.addi %add3A_72, %add3A_90 : i32
      %jit3A_92 = arith.constant 0 : i32
      %select_n3A_93 = arith.select %lt3A_89, %add3A_91, %jit3A_92 : i32
      %mul3A_94 = arith.constant 72 : i32
      %mul3A_95 = arith.muli %mul3A_68, %mul3A_94 : i32
      %dma_wait3A_96 = tpu.memref_slice %arg7[%mul3A_95] : memref<10000xi32, #tpu.memory_space<vmem>> -> memref<72xi32, #tpu.memory_space<vmem>>
      %dma_wait3A_97 = arith.constant 0 : i32
      %dma_wait3A_98 = arith.constant 0 : i32
      %dma_wait3A_99 = tpu.memref_slice %arg2[%dma_wait3A_97, %dma_wait3A_98] : memref<10000x128xf32, #tpu.memory_space<hbm>> -> memref<10000x128xf32, #tpu.memory_space<hbm>>
      tpu.wait_indirect_dma semaphore(%arg13 : memref<!tpu.dma_semaphore, #tpu.memory_space<semaphore_mem>>) src(%dma_wait3A_99 : memref<10000x128xf32, #tpu.memory_space<hbm>>) dst(%arg9 : memref<72x128xf32, #tpu.memory_space<vmem>>)
      %mul3A_100 = arith.constant 72 : i32
      %mul3A_101 = arith.muli %mul3A_68, %mul3A_100 : i32
      %dma_start3A_102 = tpu.memref_slice %arg8[%mul3A_101] : memref<10000xi32, #tpu.memory_space<vmem>> -> memref<72xi32, #tpu.memory_space<vmem>>
      %dma_start3A_103 = arith.constant 0 : i32
      %dma_start3A_104 = arith.constant 0 : i32
      %dma_start3A_105 = tpu.memref_slice %arg12[%dma_start3A_103, %dma_start3A_104] : memref<10240x128xf32, #tpu.memory_space<vmem_shared>> -> memref<10240x128xf32, #tpu.memory_space<vmem_shared>>
      tpu.enqueue_indirect_dma source(%arg9 : memref<72x128xf32, #tpu.memory_space<vmem>>) target(%dma_start3A_105 : memref<10240x128xf32, #tpu.memory_space<vmem_shared>>) offsets(%dma_start3A_102 : memref<72xi32, #tpu.memory_space<vmem>>) semaphore(%arg16 : memref<!tpu.dma_semaphore, #tpu.memory_space<semaphore_mem>>) {add = true}
      %mul3A_106 = arith.constant 72 : i32
      %mul3A_107 = arith.muli %add3A_70, %mul3A_106 : i32
      %dma_wait3A_108 = tpu.memref_slice %arg7[%mul3A_107] : memref<10000xi32, #tpu.memory_space<vmem>> -> memref<72xi32, #tpu.memory_space<vmem>>
      %dma_wait3A_109 = arith.constant 0 : i32
      %dma_wait3A_110 = arith.constant 0 : i32
      %dma_wait3A_111 = tpu.memref_slice %arg2[%dma_wait3A_109, %dma_wait3A_110] : memref<10000x128xf32, #tpu.memory_space<hbm>> -> memref<10000x128xf32, #tpu.memory_space<hbm>>
      tpu.wait_indirect_dma semaphore(%arg14 : memref<!tpu.dma_semaphore, #tpu.memory_space<semaphore_mem>>) src(%dma_wait3A_111 : memref<10000x128xf32, #tpu.memory_space<hbm>>) dst(%arg10 : memref<72x128xf32, #tpu.memory_space<vmem>>)
      %mul3A_112 = arith.constant 72 : i32
      %mul3A_113 = arith.muli %add3A_70, %mul3A_112 : i32
      %dma_start3A_114 = tpu.memref_slice %arg8[%mul3A_113] : memref<10000xi32, #tpu.memory_space<vmem>> -> memref<72xi32, #tpu.memory_space<vmem>>
      %dma_start3A_115 = arith.constant 0 : i32
      %dma_start3A_116 = arith.constant 0 : i32
      %dma_start3A_117 = tpu.memref_slice %arg12[%dma_start3A_115, %dma_start3A_116] : memref<10240x128xf32, #tpu.memory_space<vmem_shared>> -> memref<10240x128xf32, #tpu.memory_space<vmem_shared>>
      tpu.enqueue_indirect_dma source(%arg10 : memref<72x128xf32, #tpu.memory_space<vmem>>) target(%dma_start3A_117 : memref<10240x128xf32, #tpu.memory_space<vmem_shared>>) offsets(%dma_start3A_114 : memref<72xi32, #tpu.memory_space<vmem>>) semaphore(%arg17 : memref<!tpu.dma_semaphore, #tpu.memory_space<semaphore_mem>>) {add = true}
      %mul3A_118 = arith.constant 72 : i32
      %mul3A_119 = arith.muli %mul3A_68, %mul3A_118 : i32
      %dma_wait3A_120 = tpu.memref_slice %arg8[%mul3A_119] : memref<10000xi32, #tpu.memory_space<vmem>> -> memref<72xi32, #tpu.memory_space<vmem>>
      %dma_wait3A_121 = arith.constant 0 : i32
      %dma_wait3A_122 = arith.constant 0 : i32
      %dma_wait3A_123 = tpu.memref_slice %arg12[%dma_wait3A_121, %dma_wait3A_122] : memref<10240x128xf32, #tpu.memory_space<vmem_shared>> -> memref<10240x128xf32, #tpu.memory_space<vmem_shared>>
      tpu.wait_indirect_dma semaphore(%arg16 : memref<!tpu.dma_semaphore, #tpu.memory_space<semaphore_mem>>) src(%arg9 : memref<72x128xf32, #tpu.memory_space<vmem>>) dst(%dma_wait3A_123 : memref<10240x128xf32, #tpu.memory_space<vmem_shared>>)
      %mul3A_124 = arith.constant 72 : i32
      %mul3A_125 = arith.muli %select_n3A, %mul3A_124 : i32
      %dma_start3A_126 = tpu.memref_slice %arg7[%mul3A_125] : memref<10000xi32, #tpu.memory_space<vmem>> -> memref<72xi32, #tpu.memory_space<vmem>>
      %dma_start3A_127 = arith.constant 0 : i32
      %dma_start3A_128 = arith.constant 0 : i32
      %dma_start3A_129 = tpu.memref_slice %arg2[%dma_start3A_127, %dma_start3A_128] : memref<10000x128xf32, #tpu.memory_space<hbm>> -> memref<10000x128xf32, #tpu.memory_space<hbm>>
      tpu.enqueue_indirect_dma source(%dma_start3A_129 : memref<10000x128xf32, #tpu.memory_space<hbm>>) target(%arg9 : memref<72x128xf32, #tpu.memory_space<vmem>>) offsets(%dma_start3A_126 : memref<72xi32, #tpu.memory_space<vmem>>) semaphore(%arg13 : memref<!tpu.dma_semaphore, #tpu.memory_space<semaphore_mem>>)
      %mul3A_130 = arith.constant 72 : i32
      %mul3A_131 = arith.muli %add3A_72, %mul3A_130 : i32
      %dma_wait3A_132 = tpu.memref_slice %arg7[%mul3A_131] : memref<10000xi32, #tpu.memory_space<vmem>> -> memref<72xi32, #tpu.memory_space<vmem>>
      %dma_wait3A_133 = arith.constant 0 : i32
      %dma_wait3A_134 = arith.constant 0 : i32
      %dma_wait3A_135 = tpu.memref_slice %arg2[%dma_wait3A_133, %dma_wait3A_134] : memref<10000x128xf32, #tpu.memory_space<hbm>> -> memref<10000x128xf32, #tpu.memory_space<hbm>>
      tpu.wait_indirect_dma semaphore(%arg15 : memref<!tpu.dma_semaphore, #tpu.memory_space<semaphore_mem>>) src(%dma_wait3A_135 : memref<10000x128xf32, #tpu.memory_space<hbm>>) dst(%arg11 : memref<72x128xf32, #tpu.memory_space<vmem>>)
      %mul3A_136 = arith.constant 72 : i32
      %mul3A_137 = arith.muli %add3A_72, %mul3A_136 : i32
      %dma_start3A_138 = tpu.memref_slice %arg8[%mul3A_137] : memref<10000xi32, #tpu.memory_space<vmem>> -> memref<72xi32, #tpu.memory_space<vmem>>
      %dma_start3A_139 = arith.constant 0 : i32
      %dma_start3A_140 = arith.constant 0 : i32
      %dma_start3A_141 = tpu.memref_slice %arg12[%dma_start3A_139, %dma_start3A_140] : memref<10240x128xf32, #tpu.memory_space<vmem_shared>> -> memref<10240x128xf32, #tpu.memory_space<vmem_shared>>
      tpu.enqueue_indirect_dma source(%arg11 : memref<72x128xf32, #tpu.memory_space<vmem>>) target(%dma_start3A_141 : memref<10240x128xf32, #tpu.memory_space<vmem_shared>>) offsets(%dma_start3A_138 : memref<72xi32, #tpu.memory_space<vmem>>) semaphore(%arg18 : memref<!tpu.dma_semaphore, #tpu.memory_space<semaphore_mem>>) {add = true}
      %mul3A_142 = arith.constant 72 : i32
      %mul3A_143 = arith.muli %add3A_70, %mul3A_142 : i32
      %dma_wait3A_144 = tpu.memref_slice %arg8[%mul3A_143] : memref<10000xi32, #tpu.memory_space<vmem>> -> memref<72xi32, #tpu.memory_space<vmem>>
      %dma_wait3A_145 = arith.constant 0 : i32
      %dma_wait3A_146 = arith.constant 0 : i32
      %dma_wait3A_147 = tpu.memref_slice %arg12[%dma_wait3A_145, %dma_wait3A_146] : memref<10240x128xf32, #tpu.memory_space<vmem_shared>> -> memref<10240x128xf32, #tpu.memory_space<vmem_shared>>
      tpu.wait_indirect_dma semaphore(%arg17 : memref<!tpu.dma_semaphore, #tpu.memory_space<semaphore_mem>>) src(%arg10 : memref<72x128xf32, #tpu.memory_space<vmem>>) dst(%dma_wait3A_147 : memref<10240x128xf32, #tpu.memory_space<vmem_shared>>)
      %mul3A_148 = arith.constant 72 : i32
      %mul3A_149 = arith.muli %select_n3A_85, %mul3A_148 : i32
      %dma_start3A_150 = tpu.memref_slice %arg7[%mul3A_149] : memref<10000xi32, #tpu.memory_space<vmem>> -> memref<72xi32, #tpu.memory_space<vmem>>
      %dma_start3A_151 = arith.constant 0 : i32
      %dma_start3A_152 = arith.constant 0 : i32
      %dma_start3A_153 = tpu.memref_slice %arg2[%dma_start3A_151, %dma_start3A_152] : memref<10000x128xf32, #tpu.memory_space<hbm>> -> memref<10000x128xf32, #tpu.memory_space<hbm>>
      tpu.enqueue_indirect_dma source(%dma_start3A_153 : memref<10000x128xf32, #tpu.memory_space<hbm>>) target(%arg10 : memref<72x128xf32, #tpu.memory_space<vmem>>) offsets(%dma_start3A_150 : memref<72xi32, #tpu.memory_space<vmem>>) semaphore(%arg14 : memref<!tpu.dma_semaphore, #tpu.memory_space<semaphore_mem>>)
      %mul3A_154 = arith.constant 72 : i32
      %mul3A_155 = arith.muli %add3A_72, %mul3A_154 : i32
      %dma_wait3A_156 = tpu.memref_slice %arg8[%mul3A_155] : memref<10000xi32, #tpu.memory_space<vmem>> -> memref<72xi32, #tpu.memory_space<vmem>>
      %dma_wait3A_157 = arith.constant 0 : i32
      %dma_wait3A_158 = arith.constant 0 : i32
      %dma_wait3A_159 = tpu.memref_slice %arg12[%dma_wait3A_157, %dma_wait3A_158] : memref<10240x128xf32, #tpu.memory_space<vmem_shared>> -> memref<10240x128xf32, #tpu.memory_space<vmem_shared>>
      tpu.wait_indirect_dma semaphore(%arg18 : memref<!tpu.dma_semaphore, #tpu.memory_space<semaphore_mem>>) src(%arg11 : memref<72x128xf32, #tpu.memory_space<vmem>>) dst(%dma_wait3A_159 : memref<10240x128xf32, #tpu.memory_space<vmem_shared>>)
      %mul3A_160 = arith.constant 72 : i32
      %mul3A_161 = arith.muli %select_n3A_93, %mul3A_160 : i32
      %dma_start3A_162 = tpu.memref_slice %arg7[%mul3A_161] : memref<10000xi32, #tpu.memory_space<vmem>> -> memref<72xi32, #tpu.memory_space<vmem>>
      %dma_start3A_163 = arith.constant 0 : i32
      %dma_start3A_164 = arith.constant 0 : i32
      %dma_start3A_165 = tpu.memref_slice %arg2[%dma_start3A_163, %dma_start3A_164] : memref<10000x128xf32, #tpu.memory_space<hbm>> -> memref<10000x128xf32, #tpu.memory_space<hbm>>
      tpu.enqueue_indirect_dma source(%dma_start3A_165 : memref<10000x128xf32, #tpu.memory_space<hbm>>) target(%arg11 : memref<72x128xf32, #tpu.memory_space<vmem>>) offsets(%dma_start3A_162 : memref<72xi32, #tpu.memory_space<vmem>>) semaphore(%arg15 : memref<!tpu.dma_semaphore, #tpu.memory_space<semaphore_mem>>)
    }
    %scan3A_26 = arith.constant 46 : i32
    %dma_wait3A = arith.constant 0 : i32
    %dma_wait3A_27 = tpu.memref_slice %arg7[%dma_wait3A] : memref<10000xi32, #tpu.memory_space<vmem>> -> memref<72xi32, #tpu.memory_space<vmem>>
    %dma_wait3A_28 = arith.constant 0 : i32
    %dma_wait3A_29 = arith.constant 0 : i32
    %dma_wait3A_30 = tpu.memref_slice %arg2[%dma_wait3A_28, %dma_wait3A_29] : memref<10000x128xf32, #tpu.memory_space<hbm>> -> memref<10000x128xf32, #tpu.memory_space<hbm>>
    tpu.wait_indirect_dma semaphore(%arg13 : memref<!tpu.dma_semaphore, #tpu.memory_space<semaphore_mem>>) src(%dma_wait3A_30 : memref<10000x128xf32, #tpu.memory_space<hbm>>) dst(%arg9 : memref<72x128xf32, #tpu.memory_space<vmem>>)
    %dma_wait3A_31 = arith.constant 0 : i32
    %dma_wait3A_32 = tpu.memref_slice %arg7[%dma_wait3A_31] : memref<10000xi32, #tpu.memory_space<vmem>> -> memref<72xi32, #tpu.memory_space<vmem>>
    %dma_wait3A_33 = arith.constant 0 : i32
    %dma_wait3A_34 = arith.constant 0 : i32
    %dma_wait3A_35 = tpu.memref_slice %arg2[%dma_wait3A_33, %dma_wait3A_34] : memref<10000x128xf32, #tpu.memory_space<hbm>> -> memref<10000x128xf32, #tpu.memory_space<hbm>>
    tpu.wait_indirect_dma semaphore(%arg14 : memref<!tpu.dma_semaphore, #tpu.memory_space<semaphore_mem>>) src(%dma_wait3A_35 : memref<10000x128xf32, #tpu.memory_space<hbm>>) dst(%arg10 : memref<72x128xf32, #tpu.memory_space<vmem>>)
    %dma_wait3A_36 = arith.constant 0 : i32
    %dma_wait3A_37 = tpu.memref_slice %arg7[%dma_wait3A_36] : memref<10000xi32, #tpu.memory_space<vmem>> -> memref<72xi32, #tpu.memory_space<vmem>>
    %dma_wait3A_38 = arith.constant 0 : i32
    %dma_wait3A_39 = arith.constant 0 : i32
    %dma_wait3A_40 = tpu.memref_slice %arg2[%dma_wait3A_38, %dma_wait3A_39] : memref<10000x128xf32, #tpu.memory_space<hbm>> -> memref<10000x128xf32, #tpu.memory_space<hbm>>
    tpu.wait_indirect_dma semaphore(%arg15 : memref<!tpu.dma_semaphore, #tpu.memory_space<semaphore_mem>>) src(%dma_wait3A_40 : memref<10000x128xf32, #tpu.memory_space<hbm>>) dst(%arg11 : memref<72x128xf32, #tpu.memory_space<vmem>>)
    %dma_start3A_41 = arith.constant 0 : i32
    %dma_start3A_42 = arith.constant 0 : i32
    %dma_start3A_43 = tpu.memref_slice %arg9[%dma_start3A_41, %dma_start3A_42] : memref<72x128xf32, #tpu.memory_space<vmem>> -> memref<64x128xf32, #tpu.memory_space<vmem>>
    %dma_start3A_44 = arith.constant 9936 : i32
    %dma_start3A_45 = tpu.memref_slice %arg7[%dma_start3A_44] : memref<10000xi32, #tpu.memory_space<vmem>> -> memref<64xi32, #tpu.memory_space<vmem>>
    %dma_start3A_46 = arith.constant 0 : i32
    %dma_start3A_47 = arith.constant 0 : i32
    %dma_start3A_48 = tpu.memref_slice %arg2[%dma_start3A_46, %dma_start3A_47] : memref<10000x128xf32, #tpu.memory_space<hbm>> -> memref<10000x128xf32, #tpu.memory_space<hbm>>
    tpu.enqueue_indirect_dma source(%dma_start3A_48 : memref<10000x128xf32, #tpu.memory_space<hbm>>) target(%dma_start3A_43 : memref<64x128xf32, #tpu.memory_space<vmem>>) offsets(%dma_start3A_45 : memref<64xi32, #tpu.memory_space<vmem>>) semaphore(%arg13 : memref<!tpu.dma_semaphore, #tpu.memory_space<semaphore_mem>>)
    %dma_wait3A_49 = arith.constant 0 : i32
    %dma_wait3A_50 = arith.constant 0 : i32
    %dma_wait3A_51 = tpu.memref_slice %arg9[%dma_wait3A_49, %dma_wait3A_50] : memref<72x128xf32, #tpu.memory_space<vmem>> -> memref<64x128xf32, #tpu.memory_space<vmem>>
    %dma_wait3A_52 = arith.constant 9936 : i32
    %dma_wait3A_53 = tpu.memref_slice %arg7[%dma_wait3A_52] : memref<10000xi32, #tpu.memory_space<vmem>> -> memref<64xi32, #tpu.memory_space<vmem>>
    %dma_wait3A_54 = arith.constant 0 : i32
    %dma_wait3A_55 = arith.constant 0 : i32
    %dma_wait3A_56 = tpu.memref_slice %arg2[%dma_wait3A_54, %dma_wait3A_55] : memref<10000x128xf32, #tpu.memory_space<hbm>> -> memref<10000x128xf32, #tpu.memory_space<hbm>>
    tpu.wait_indirect_dma semaphore(%arg13 : memref<!tpu.dma_semaphore, #tpu.memory_space<semaphore_mem>>) src(%dma_wait3A_56 : memref<10000x128xf32, #tpu.memory_space<hbm>>) dst(%dma_wait3A_51 : memref<64x128xf32, #tpu.memory_space<vmem>>)
    "tpu.region"() ({
      %run_scoped3A = tpu.sem_alloc : memref<!tpu.dma_semaphore, #tpu.memory_space<semaphore_mem>>
      %dma_start3A_62 = arith.constant 0 : i32
      %dma_start3A_63 = arith.constant 0 : i32
      %dma_start3A_64 = tpu.memref_slice %arg9[%dma_start3A_62, %dma_start3A_63] : memref<72x128xf32, #tpu.memory_space<vmem>> -> memref<64x128xf32, #tpu.memory_space<vmem>>
      %dma_start3A_65 = arith.constant 9936 : i32
      %dma_start3A_66 = tpu.memref_slice %arg8[%dma_start3A_65] : memref<10000xi32, #tpu.memory_space<vmem>> -> memref<64xi32, #tpu.memory_space<vmem>>
      %dma_start3A_67 = arith.constant 0 : i32
      %dma_start3A_68 = arith.constant 0 : i32
      %dma_start3A_69 = tpu.memref_slice %arg12[%dma_start3A_67, %dma_start3A_68] : memref<10240x128xf32, #tpu.memory_space<vmem_shared>> -> memref<10240x128xf32, #tpu.memory_space<vmem_shared>>
      tpu.enqueue_indirect_dma source(%dma_start3A_64 : memref<64x128xf32, #tpu.memory_space<vmem>>) target(%dma_start3A_69 : memref<10240x128xf32, #tpu.memory_space<vmem_shared>>) offsets(%dma_start3A_66 : memref<64xi32, #tpu.memory_space<vmem>>) semaphore(%run_scoped3A : memref<!tpu.dma_semaphore, #tpu.memory_space<semaphore_mem>>) {add = true}
      %dma_wait3A_70 = arith.constant 0 : i32
      %dma_wait3A_71 = arith.constant 0 : i32
      %dma_wait3A_72 = tpu.memref_slice %arg9[%dma_wait3A_70, %dma_wait3A_71] : memref<72x128xf32, #tpu.memory_space<vmem>> -> memref<64x128xf32, #tpu.memory_space<vmem>>
      %dma_wait3A_73 = arith.constant 9936 : i32
      %dma_wait3A_74 = tpu.memref_slice %arg8[%dma_wait3A_73] : memref<10000xi32, #tpu.memory_space<vmem>> -> memref<64xi32, #tpu.memory_space<vmem>>
      %dma_wait3A_75 = arith.constant 0 : i32
      %dma_wait3A_76 = arith.constant 0 : i32
      %dma_wait3A_77 = tpu.memref_slice %arg12[%dma_wait3A_75, %dma_wait3A_76] : memref<10240x128xf32, #tpu.memory_space<vmem_shared>> -> memref<10240x128xf32, #tpu.memory_space<vmem_shared>>
      tpu.wait_indirect_dma semaphore(%run_scoped3A : memref<!tpu.dma_semaphore, #tpu.memory_space<semaphore_mem>>) src(%dma_wait3A_72 : memref<64x128xf32, #tpu.memory_space<vmem>>) dst(%dma_wait3A_77 : memref<10240x128xf32, #tpu.memory_space<vmem_shared>>)
      tpu.yield
    }) : () -> ()
    %barrier3A_57 = arith.constant 0 : index
    tpu.barrier barrier_id(%barrier3A_57)
    %mul3A_58 = arith.constant 640 : i32
    %mul3A_59 = arith.muli %arg1, %mul3A_58 : i32
    %mul3A_60 = arith.constant 640 : i32
    %mul3A_61 = arith.muli %arg1, %mul3A_60 : i32
    "tpu.region"() ({
      %run_scoped3A = tpu.sem_alloc : memref<!tpu.dma_semaphore, #tpu.memory_space<semaphore_mem>>
      %dma_start3A_62 = arith.constant 0 : i32
      %dma_start3A_63 = arith.constant 0 : i32
      %dma_start3A_64 = tpu.memref_slice %arg6[%arg0, %dma_start3A_62, %dma_start3A_63] : memref<2x10240x128xf32, #tpu.memory_space<hbm>> -> memref<1x10240x128xf32, #tpu.memory_space<hbm>>
      %dma_start3A_65 = tpu.memref_squeeze %dma_start3A_64 : memref<1x10240x128xf32, #tpu.memory_space<hbm>> -> memref<10240x128xf32, #tpu.memory_space<hbm>>
      %dma_start3A_66 = arith.constant 0 : i32
      %dma_start3A_67 = tpu.memref_slice %dma_start3A_65[%mul3A_61, %dma_start3A_66] : memref<10240x128xf32, #tpu.memory_space<hbm>> -> memref<640x128xf32, #tpu.memory_space<hbm>>
      %dma_start3A_68 = arith.constant 0 : i32
      %dma_start3A_69 = tpu.memref_slice %arg12[%mul3A_59, %dma_start3A_68] : memref<10240x128xf32, #tpu.memory_space<vmem_shared>> -> memref<640x128xf32, #tpu.memory_space<vmem_shared>>
      tpu.enqueue_dma source(%dma_start3A_69 : memref<640x128xf32, #tpu.memory_space<vmem_shared>>) target(%dma_start3A_67 : memref<640x128xf32, #tpu.memory_space<hbm>>) target_semaphore(%run_scoped3A : memref<!tpu.dma_semaphore, #tpu.memory_space<semaphore_mem>>)
      %dma_wait3A_70 = arith.constant 0 : i32
      %dma_wait3A_71 = arith.constant 0 : i32
      %dma_wait3A_72 = tpu.memref_slice %arg6[%arg0, %dma_wait3A_70, %dma_wait3A_71] : memref<2x10240x128xf32, #tpu.memory_space<hbm>> -> memref<1x10240x128xf32, #tpu.memory_space<hbm>>
      %dma_wait3A_73 = tpu.memref_squeeze %dma_wait3A_72 : memref<1x10240x128xf32, #tpu.memory_space<hbm>> -> memref<10240x128xf32, #tpu.memory_space<hbm>>
      %dma_wait3A_74 = arith.constant 0 : i32
      %dma_wait3A_75 = tpu.memref_slice %dma_wait3A_73[%mul3A_61, %dma_wait3A_74] : memref<10240x128xf32, #tpu.memory_space<hbm>> -> memref<640x128xf32, #tpu.memory_space<hbm>>
      %dma_wait3A_76 = arith.constant 0 : i32
      %dma_wait3A_77 = tpu.memref_slice %arg12[%mul3A_59, %dma_wait3A_76] : memref<10240x128xf32, #tpu.memory_space<vmem_shared>> -> memref<640x128xf32, #tpu.memory_space<vmem_shared>>
      tpu.wait_dma2 semaphore(%run_scoped3A : memref<!tpu.dma_semaphore, #tpu.memory_space<semaphore_mem>>) src(%dma_wait3A_77 : memref<640x128xf32, #tpu.memory_space<vmem_shared>>) dst(%dma_wait3A_75 : memref<640x128xf32, #tpu.memory_space<hbm>>)
      tpu.yield
    }) : () -> ()
    return
  }
}

#map = affine_map<(d0, d1) -> (0, 0)>
#map1 = affine_map<(d0, d1) -> (0)>
#map2 = affine_map<(d0, d1) -> (0, 0, 0)>
module attributes {stable_mosaic.version = 14 : i64} {
  func.func @_agg_kernel(%arg0: i32, %arg1: i32, %arg2: memref<10000x128xf32, #tpu.memory_space<hbm>>, %arg3: memref<320000xi32, #tpu.memory_space<hbm>>, %arg4: memref<320000xi32, #tpu.memory_space<hbm>>, %arg5: memref<10240x128xf32, #tpu.memory_space<hbm>>, %arg6: memref<2x10240x128xf32, #tpu.memory_space<hbm>>, %arg7: memref<10000xi32, #tpu.memory_space<vmem>>, %arg8: memref<10000xi32, #tpu.memory_space<vmem>>, %arg9: memref<72x128xf32, #tpu.memory_space<vmem>>, %arg10: memref<72x128xf32, #tpu.memory_space<vmem>>, %arg11: memref<72x128xf32, #tpu.memory_space<vmem>>, %arg12: memref<10240x128xf32, #tpu.memory_space<vmem_shared>>, %arg13: memref<!tpu.dma_semaphore, #tpu.memory_space<semaphore_mem>>, %arg14: memref<!tpu.dma_semaphore, #tpu.memory_space<semaphore_mem>>, %arg15: memref<!tpu.dma_semaphore, #tpu.memory_space<semaphore_mem>>, %arg16: memref<!tpu.dma_semaphore, #tpu.memory_space<semaphore_mem>>, %arg17: memref<!tpu.dma_semaphore, #tpu.memory_space<semaphore_mem>>, %arg18: memref<!tpu.dma_semaphore, #tpu.memory_space<semaphore_mem>>) attributes {dimension_semantics = [#tpu.dimension_semantics<core_parallel>, #tpu.dimension_semantics<subcore_parallel>], iteration_bounds = array<i64: 2, 16>, scalar_prefetch = 0 : i64, scratch_operands = 12 : i64, tpu.core_type = #tpu.core_type<sc_vector_subcore>, window_params = [{transform_indices = #map}, {transform_indices = #map1}, {transform_indices = #map1}, {transform_indices = #map}, {transform_indices = #map2}]} {
    %mul3A = arith.constant 16 : i32
    %mul3A_0 = arith.muli %arg0, %mul3A : i32
    %add3A = arith.addi %mul3A_0, %arg1 : i32
    %mul3A_1 = arith.constant 10000 : i32
    %mul3A_2 = arith.muli %add3A, %mul3A_1 : i32
    "tpu.region"() ({
      %run_scoped3A = tpu.sem_alloc : memref<!tpu.dma_semaphore, #tpu.memory_space<semaphore_mem>>
      %dma_start3A_62 = tpu.memref_slice %arg3[%mul3A_2] : memref<320000xi32, #tpu.memory_space<hbm>> -> memref<10000xi32, #tpu.memory_space<hbm>>
      %dma_start3A_63 = tpu.memref_slice %arg3[%mul3A_2] : memref<320000xi32, #tpu.memory_space<hbm>> -> memref<10000xi32, #tpu.memory_space<hbm>>
      tpu.enqueue_dma source(%dma_start3A_63 : memref<10000xi32, #tpu.memory_space<hbm>>) target(%arg7 : memref<10000xi32, #tpu.memory_space<vmem>>) target_semaphore(%run_scoped3A : memref<!tpu.dma_semaphore, #tpu.memory_space<semaphore_mem>>)
      %dma_wait3A_64 = tpu.memref_slice %arg3[%mul3A_2] : memref<320000xi32, #tpu.memory_space<hbm>> -> memref<10000xi32, #tpu.memory_space<hbm>>
      %dma_wait3A_65 = tpu.memref_slice %arg3[%mul3A_2] : memref<320000xi32, #tpu.memory_space<hbm>> -> memref<10000xi32, #tpu.memory_space<hbm>>
      tpu.wait_dma2 semaphore(%run_scoped3A : memref<!tpu.dma_semaphore, #tpu.memory_space<semaphore_mem>>) src(%dma_wait3A_65 : memref<10000xi32, #tpu.memory_space<hbm>>) dst(%arg7 : memref<10000xi32, #tpu.memory_space<vmem>>)
      tpu.yield
    }) : () -> ()
    %mul3A_3 = arith.constant 10000 : i32
    %mul3A_4 = arith.muli %add3A, %mul3A_3 : i32
    "tpu.region"() ({
      %run_scoped3A = tpu.sem_alloc : memref<!tpu.dma_semaphore, #tpu.memory_space<semaphore_mem>>
      %dma_start3A_62 = tpu.memref_slice %arg4[%mul3A_4] : memref<320000xi32, #tpu.memory_space<hbm>> -> memref<10000xi32, #tpu.memory_space<hbm>>
      %dma_start3A_63 = tpu.memref_slice %arg4[%mul3A_4] : memref<320000xi32, #tpu.memory_space<hbm>> -> memref<10000xi32, #tpu.memory_space<hbm>>
      tpu.enqueue_dma source(%dma_start3A_63 : memref<10000xi32, #tpu.memory_space<hbm>>) target(%arg8 : memref<10000xi32, #tpu.memory_space<vmem>>) target_semaphore(%run_scoped3A : memref<!tpu.dma_semaphore, #tpu.memory_space<semaphore_mem>>)
      %dma_wait3A_64 = tpu.memref_slice %arg4[%mul3A_4] : memref<320000xi32, #tpu.memory_space<hbm>> -> memref<10000xi32, #tpu.memory_space<hbm>>
      %dma_wait3A_65 = tpu.memref_slice %arg4[%mul3A_4] : memref<320000xi32, #tpu.memory_space<hbm>> -> memref<10000xi32, #tpu.memory_space<hbm>>
      tpu.wait_dma2 semaphore(%run_scoped3A : memref<!tpu.dma_semaphore, #tpu.memory_space<semaphore_mem>>) src(%dma_wait3A_65 : memref<10000xi32, #tpu.memory_space<hbm>>) dst(%arg8 : memref<10000xi32, #tpu.memory_space<vmem>>)
      tpu.yield
    }) : () -> ()
    %mul3A_5 = arith.constant 640 : i32
    %mul3A_6 = arith.muli %arg1, %mul3A_5 : i32
    %mul3A_7 = arith.constant 640 : i32
    %mul3A_8 = arith.muli %arg1, %mul3A_7 : i32
    "tpu.region"() ({
      %run_scoped3A = tpu.sem_alloc : memref<!tpu.dma_semaphore, #tpu.memory_space<semaphore_mem>>
      %dma_start3A_62 = arith.constant 0 : i32
      %dma_start3A_63 = tpu.memref_slice %arg12[%mul3A_8, %dma_start3A_62] : memref<10240x128xf32, #tpu.memory_space<vmem_shared>> -> memref<640x128xf32, #tpu.memory_space<vmem_shared>>
      %dma_start3A_64 = arith.constant 0 : i32
      %dma_start3A_65 = tpu.memref_slice %arg5[%mul3A_6, %dma_start3A_64] : memref<10240x128xf32, #tpu.memory_space<hbm>> -> memref<640x128xf32, #tpu.memory_space<hbm>>
      tpu.enqueue_dma source(%dma_start3A_65 : memref<640x128xf32, #tpu.memory_space<hbm>>) target(%dma_start3A_63 : memref<640x128xf32, #tpu.memory_space<vmem_shared>>) target_semaphore(%run_scoped3A : memref<!tpu.dma_semaphore, #tpu.memory_space<semaphore_mem>>)
      %dma_wait3A_66 = arith.constant 0 : i32
      %dma_wait3A_67 = tpu.memref_slice %arg12[%mul3A_8, %dma_wait3A_66] : memref<10240x128xf32, #tpu.memory_space<vmem_shared>> -> memref<640x128xf32, #tpu.memory_space<vmem_shared>>
      %dma_wait3A_68 = arith.constant 0 : i32
      %dma_wait3A_69 = tpu.memref_slice %arg5[%mul3A_6, %dma_wait3A_68] : memref<10240x128xf32, #tpu.memory_space<hbm>> -> memref<640x128xf32, #tpu.memory_space<hbm>>
      tpu.wait_dma2 semaphore(%run_scoped3A : memref<!tpu.dma_semaphore, #tpu.memory_space<semaphore_mem>>) src(%dma_wait3A_69 : memref<640x128xf32, #tpu.memory_space<hbm>>) dst(%dma_wait3A_67 : memref<640x128xf32, #tpu.memory_space<vmem_shared>>)
      tpu.yield
    }) : () -> ()
    %barrier3A = arith.constant 0 : index
    tpu.barrier barrier_id(%barrier3A)
    %dma_start3A = arith.constant 0 : i32
    %dma_start3A_9 = tpu.memref_slice %arg7[%dma_start3A] : memref<10000xi32, #tpu.memory_space<vmem>> -> memref<72xi32, #tpu.memory_space<vmem>>
    %dma_start3A_10 = arith.constant 0 : i32
    %dma_start3A_11 = arith.constant 0 : i32
    %dma_start3A_12 = tpu.memref_slice %arg2[%dma_start3A_10, %dma_start3A_11] : memref<10000x128xf32, #tpu.memory_space<hbm>> -> memref<10000x128xf32, #tpu.memory_space<hbm>>
    tpu.enqueue_indirect_dma source(%dma_start3A_12 : memref<10000x128xf32, #tpu.memory_space<hbm>>) target(%arg9 : memref<72x128xf32, #tpu.memory_space<vmem>>) offsets(%dma_start3A_9 : memref<72xi32, #tpu.memory_space<vmem>>) semaphore(%arg13 : memref<!tpu.dma_semaphore, #tpu.memory_space<semaphore_mem>>)
    %dma_start3A_13 = arith.constant 72 : i32
    %dma_start3A_14 = tpu.memref_slice %arg7[%dma_start3A_13] : memref<10000xi32, #tpu.memory_space<vmem>> -> memref<72xi32, #tpu.memory_space<vmem>>
    %dma_start3A_15 = arith.constant 0 : i32
    %dma_start3A_16 = arith.constant 0 : i32
    %dma_start3A_17 = tpu.memref_slice %arg2[%dma_start3A_15, %dma_start3A_16] : memref<10000x128xf32, #tpu.memory_space<hbm>> -> memref<10000x128xf32, #tpu.memory_space<hbm>>
    tpu.enqueue_indirect_dma source(%dma_start3A_17 : memref<10000x128xf32, #tpu.memory_space<hbm>>) target(%arg10 : memref<72x128xf32, #tpu.memory_space<vmem>>) offsets(%dma_start3A_14 : memref<72xi32, #tpu.memory_space<vmem>>) semaphore(%arg14 : memref<!tpu.dma_semaphore, #tpu.memory_space<semaphore_mem>>)
    %dma_start3A_18 = arith.constant 144 : i32
    %dma_start3A_19 = tpu.memref_slice %arg7[%dma_start3A_18] : memref<10000xi32, #tpu.memory_space<vmem>> -> memref<72xi32, #tpu.memory_space<vmem>>
    %dma_start3A_20 = arith.constant 0 : i32
    %dma_start3A_21 = arith.constant 0 : i32
    %dma_start3A_22 = tpu.memref_slice %arg2[%dma_start3A_20, %dma_start3A_21] : memref<10000x128xf32, #tpu.memory_space<hbm>> -> memref<10000x128xf32, #tpu.memory_space<hbm>>
    tpu.enqueue_indirect_dma source(%dma_start3A_22 : memref<10000x128xf32, #tpu.memory_space<hbm>>) target(%arg11 : memref<72x128xf32, #tpu.memory_space<vmem>>) offsets(%dma_start3A_19 : memref<72xi32, #tpu.memory_space<vmem>>) semaphore(%arg15 : memref<!tpu.dma_semaphore, #tpu.memory_space<semaphore_mem>>)
    %scan3A = arith.constant 0 : i32
    %scan3A_23 = arith.constant 46 : i32
    %scan3A_24 = arith.addi %scan3A, %scan3A_23 : i32
    %scan3A_25 = arith.constant 1 : i32
    scf.for %scan3A_62 = %scan3A to %scan3A_24 step %scan3A_25  : i32 {
      %mul3A_63 = arith.constant 1 : i32
      %mul3A_64 = arith.muli %scan3A_62, %mul3A_63 : i32
      %add3A_65 = arith.constant 0 : i32
      %add3A_66 = arith.addi %add3A_65, %mul3A_64 : i32
      %mul3A_67 = arith.constant 3 : i32
      %mul3A_68 = arith.muli %mul3A_67, %add3A_66 : i32
      %add3A_69 = arith.constant 1 : i32
      %add3A_70 = arith.addi %mul3A_68, %add3A_69 : i32
      %add3A_71 = arith.constant 2 : i32
      %add3A_72 = arith.addi %mul3A_68, %add3A_71 : i32
      %add3A_73 = arith.constant 3 : i32
      %add3A_74 = arith.addi %mul3A_68, %add3A_73 : i32
      %lt3A = arith.constant 138 : i32
      %lt3A_75 = arith.cmpi slt, %add3A_74, %lt3A : i32
      %add3A_76 = arith.constant 3 : i32
      %add3A_77 = arith.addi %mul3A_68, %add3A_76 : i32
      %jit3A = arith.constant 0 : i32
      %select_n3A = arith.select %lt3A_75, %add3A_77, %jit3A : i32
      %add3A_78 = arith.constant 3 : i32
      %add3A_79 = arith.addi %add3A_70, %add3A_78 : i32
      %lt3A_80 = arith.constant 138 : i32
      %lt3A_81 = arith.cmpi slt, %add3A_79, %lt3A_80 : i32
      %add3A_82 = arith.constant 3 : i32
      %add3A_83 = arith.addi %add3A_70, %add3A_82 : i32
      %jit3A_84 = arith.constant 0 : i32
      %select_n3A_85 = arith.select %lt3A_81, %add3A_83, %jit3A_84 : i32
      %add3A_86 = arith.constant 3 : i32
      %add3A_87 = arith.addi %add3A_72, %add3A_86 : i32
      %lt3A_88 = arith.constant 138 : i32
      %lt3A_89 = arith.cmpi slt, %add3A_87, %lt3A_88 : i32
      %add3A_90 = arith.constant 3 : i32
      %add3A_91 = arith.addi %add3A_72, %add3A_90 : i32
      %jit3A_92 = arith.constant 0 : i32
      %select_n3A_93 = arith.select %lt3A_89, %add3A_91, %jit3A_92 : i32
      %mul3A_94 = arith.constant 72 : i32
      %mul3A_95 = arith.muli %mul3A_68, %mul3A_94 : i32
      %dma_wait3A_96 = tpu.memref_slice %arg7[%mul3A_95] : memref<10000xi32, #tpu.memory_space<vmem>> -> memref<72xi32, #tpu.memory_space<vmem>>
      %dma_wait3A_97 = arith.constant 0 : i32
      %dma_wait3A_98 = arith.constant 0 : i32
      %dma_wait3A_99 = tpu.memref_slice %arg2[%dma_wait3A_97, %dma_wait3A_98] : memref<10000x128xf32, #tpu.memory_space<hbm>> -> memref<10000x128xf32, #tpu.memory_space<hbm>>
      tpu.wait_indirect_dma semaphore(%arg13 : memref<!tpu.dma_semaphore, #tpu.memory_space<semaphore_mem>>) src(%dma_wait3A_99 : memref<10000x128xf32, #tpu.memory_space<hbm>>) dst(%arg9 : memref<72x128xf32, #tpu.memory_space<vmem>>)
      %mul3A_100 = arith.constant 72 : i32
      %mul3A_101 = arith.muli %mul3A_68, %mul3A_100 : i32
      %dma_start3A_102 = tpu.memref_slice %arg8[%mul3A_101] : memref<10000xi32, #tpu.memory_space<vmem>> -> memref<72xi32, #tpu.memory_space<vmem>>
      %dma_start3A_103 = arith.constant 0 : i32
      %dma_start3A_104 = arith.constant 0 : i32
      %dma_start3A_105 = tpu.memref_slice %arg12[%dma_start3A_103, %dma_start3A_104] : memref<10240x128xf32, #tpu.memory_space<vmem_shared>> -> memref<10240x128xf32, #tpu.memory_space<vmem_shared>>
      tpu.enqueue_indirect_dma source(%arg9 : memref<72x128xf32, #tpu.memory_space<vmem>>) target(%dma_start3A_105 : memref<10240x128xf32, #tpu.memory_space<vmem_shared>>) offsets(%dma_start3A_102 : memref<72xi32, #tpu.memory_space<vmem>>) semaphore(%arg16 : memref<!tpu.dma_semaphore, #tpu.memory_space<semaphore_mem>>) {add = true}
      %mul3A_106 = arith.constant 72 : i32
      %mul3A_107 = arith.muli %add3A_70, %mul3A_106 : i32
      %dma_wait3A_108 = tpu.memref_slice %arg7[%mul3A_107] : memref<10000xi32, #tpu.memory_space<vmem>> -> memref<72xi32, #tpu.memory_space<vmem>>
      %dma_wait3A_109 = arith.constant 0 : i32
      %dma_wait3A_110 = arith.constant 0 : i32
      %dma_wait3A_111 = tpu.memref_slice %arg2[%dma_wait3A_109, %dma_wait3A_110] : memref<10000x128xf32, #tpu.memory_space<hbm>> -> memref<10000x128xf32, #tpu.memory_space<hbm>>
      tpu.wait_indirect_dma semaphore(%arg14 : memref<!tpu.dma_semaphore, #tpu.memory_space<semaphore_mem>>) src(%dma_wait3A_111 : memref<10000x128xf32, #tpu.memory_space<hbm>>) dst(%arg10 : memref<72x128xf32, #tpu.memory_space<vmem>>)
      %mul3A_112 = arith.constant 72 : i32
      %mul3A_113 = arith.muli %add3A_70, %mul3A_112 : i32
      %dma_start3A_114 = tpu.memref_slice %arg8[%mul3A_113] : memref<10000xi32, #tpu.memory_space<vmem>> -> memref<72xi32, #tpu.memory_space<vmem>>
      %dma_start3A_115 = arith.constant 0 : i32
      %dma_start3A_116 = arith.constant 0 : i32
      %dma_start3A_117 = tpu.memref_slice %arg12[%dma_start3A_115, %dma_start3A_116] : memref<10240x128xf32, #tpu.memory_space<vmem_shared>> -> memref<10240x128xf32, #tpu.memory_space<vmem_shared>>
      tpu.enqueue_indirect_dma source(%arg10 : memref<72x128xf32, #tpu.memory_space<vmem>>) target(%dma_start3A_117 : memref<10240x128xf32, #tpu.memory_space<vmem_shared>>) offsets(%dma_start3A_114 : memref<72xi32, #tpu.memory_space<vmem>>) semaphore(%arg17 : memref<!tpu.dma_semaphore, #tpu.memory_space<semaphore_mem>>) {add = true}
      %mul3A_118 = arith.constant 72 : i32
      %mul3A_119 = arith.muli %mul3A_68, %mul3A_118 : i32
      %dma_wait3A_120 = tpu.memref_slice %arg8[%mul3A_119] : memref<10000xi32, #tpu.memory_space<vmem>> -> memref<72xi32, #tpu.memory_space<vmem>>
      %dma_wait3A_121 = arith.constant 0 : i32
      %dma_wait3A_122 = arith.constant 0 : i32
      %dma_wait3A_123 = tpu.memref_slice %arg12[%dma_wait3A_121, %dma_wait3A_122] : memref<10240x128xf32, #tpu.memory_space<vmem_shared>> -> memref<10240x128xf32, #tpu.memory_space<vmem_shared>>
      tpu.wait_indirect_dma semaphore(%arg16 : memref<!tpu.dma_semaphore, #tpu.memory_space<semaphore_mem>>) src(%arg9 : memref<72x128xf32, #tpu.memory_space<vmem>>) dst(%dma_wait3A_123 : memref<10240x128xf32, #tpu.memory_space<vmem_shared>>)
      %mul3A_124 = arith.constant 72 : i32
      %mul3A_125 = arith.muli %select_n3A, %mul3A_124 : i32
      %dma_start3A_126 = tpu.memref_slice %arg7[%mul3A_125] : memref<10000xi32, #tpu.memory_space<vmem>> -> memref<72xi32, #tpu.memory_space<vmem>>
      %dma_start3A_127 = arith.constant 0 : i32
      %dma_start3A_128 = arith.constant 0 : i32
      %dma_start3A_129 = tpu.memref_slice %arg2[%dma_start3A_127, %dma_start3A_128] : memref<10000x128xf32, #tpu.memory_space<hbm>> -> memref<10000x128xf32, #tpu.memory_space<hbm>>
      tpu.enqueue_indirect_dma source(%dma_start3A_129 : memref<10000x128xf32, #tpu.memory_space<hbm>>) target(%arg9 : memref<72x128xf32, #tpu.memory_space<vmem>>) offsets(%dma_start3A_126 : memref<72xi32, #tpu.memory_space<vmem>>) semaphore(%arg13 : memref<!tpu.dma_semaphore, #tpu.memory_space<semaphore_mem>>)
      %mul3A_130 = arith.constant 72 : i32
      %mul3A_131 = arith.muli %add3A_72, %mul3A_130 : i32
      %dma_wait3A_132 = tpu.memref_slice %arg7[%mul3A_131] : memref<10000xi32, #tpu.memory_space<vmem>> -> memref<72xi32, #tpu.memory_space<vmem>>
      %dma_wait3A_133 = arith.constant 0 : i32
      %dma_wait3A_134 = arith.constant 0 : i32
      %dma_wait3A_135 = tpu.memref_slice %arg2[%dma_wait3A_133, %dma_wait3A_134] : memref<10000x128xf32, #tpu.memory_space<hbm>> -> memref<10000x128xf32, #tpu.memory_space<hbm>>
      tpu.wait_indirect_dma semaphore(%arg15 : memref<!tpu.dma_semaphore, #tpu.memory_space<semaphore_mem>>) src(%dma_wait3A_135 : memref<10000x128xf32, #tpu.memory_space<hbm>>) dst(%arg11 : memref<72x128xf32, #tpu.memory_space<vmem>>)
      %mul3A_136 = arith.constant 72 : i32
      %mul3A_137 = arith.muli %add3A_72, %mul3A_136 : i32
      %dma_start3A_138 = tpu.memref_slice %arg8[%mul3A_137] : memref<10000xi32, #tpu.memory_space<vmem>> -> memref<72xi32, #tpu.memory_space<vmem>>
      %dma_start3A_139 = arith.constant 0 : i32
      %dma_start3A_140 = arith.constant 0 : i32
      %dma_start3A_141 = tpu.memref_slice %arg12[%dma_start3A_139, %dma_start3A_140] : memref<10240x128xf32, #tpu.memory_space<vmem_shared>> -> memref<10240x128xf32, #tpu.memory_space<vmem_shared>>
      tpu.enqueue_indirect_dma source(%arg11 : memref<72x128xf32, #tpu.memory_space<vmem>>) target(%dma_start3A_141 : memref<10240x128xf32, #tpu.memory_space<vmem_shared>>) offsets(%dma_start3A_138 : memref<72xi32, #tpu.memory_space<vmem>>) semaphore(%arg18 : memref<!tpu.dma_semaphore, #tpu.memory_space<semaphore_mem>>) {add = true}
      %mul3A_142 = arith.constant 72 : i32
      %mul3A_143 = arith.muli %add3A_70, %mul3A_142 : i32
      %dma_wait3A_144 = tpu.memref_slice %arg8[%mul3A_143] : memref<10000xi32, #tpu.memory_space<vmem>> -> memref<72xi32, #tpu.memory_space<vmem>>
      %dma_wait3A_145 = arith.constant 0 : i32
      %dma_wait3A_146 = arith.constant 0 : i32
      %dma_wait3A_147 = tpu.memref_slice %arg12[%dma_wait3A_145, %dma_wait3A_146] : memref<10240x128xf32, #tpu.memory_space<vmem_shared>> -> memref<10240x128xf32, #tpu.memory_space<vmem_shared>>
      tpu.wait_indirect_dma semaphore(%arg17 : memref<!tpu.dma_semaphore, #tpu.memory_space<semaphore_mem>>) src(%arg10 : memref<72x128xf32, #tpu.memory_space<vmem>>) dst(%dma_wait3A_147 : memref<10240x128xf32, #tpu.memory_space<vmem_shared>>)
      %mul3A_148 = arith.constant 72 : i32
      %mul3A_149 = arith.muli %select_n3A_85, %mul3A_148 : i32
      %dma_start3A_150 = tpu.memref_slice %arg7[%mul3A_149] : memref<10000xi32, #tpu.memory_space<vmem>> -> memref<72xi32, #tpu.memory_space<vmem>>
      %dma_start3A_151 = arith.constant 0 : i32
      %dma_start3A_152 = arith.constant 0 : i32
      %dma_start3A_153 = tpu.memref_slice %arg2[%dma_start3A_151, %dma_start3A_152] : memref<10000x128xf32, #tpu.memory_space<hbm>> -> memref<10000x128xf32, #tpu.memory_space<hbm>>
      tpu.enqueue_indirect_dma source(%dma_start3A_153 : memref<10000x128xf32, #tpu.memory_space<hbm>>) target(%arg10 : memref<72x128xf32, #tpu.memory_space<vmem>>) offsets(%dma_start3A_150 : memref<72xi32, #tpu.memory_space<vmem>>) semaphore(%arg14 : memref<!tpu.dma_semaphore, #tpu.memory_space<semaphore_mem>>)
      %mul3A_154 = arith.constant 72 : i32
      %mul3A_155 = arith.muli %add3A_72, %mul3A_154 : i32
      %dma_wait3A_156 = tpu.memref_slice %arg8[%mul3A_155] : memref<10000xi32, #tpu.memory_space<vmem>> -> memref<72xi32, #tpu.memory_space<vmem>>
      %dma_wait3A_157 = arith.constant 0 : i32
      %dma_wait3A_158 = arith.constant 0 : i32
      %dma_wait3A_159 = tpu.memref_slice %arg12[%dma_wait3A_157, %dma_wait3A_158] : memref<10240x128xf32, #tpu.memory_space<vmem_shared>> -> memref<10240x128xf32, #tpu.memory_space<vmem_shared>>
      tpu.wait_indirect_dma semaphore(%arg18 : memref<!tpu.dma_semaphore, #tpu.memory_space<semaphore_mem>>) src(%arg11 : memref<72x128xf32, #tpu.memory_space<vmem>>) dst(%dma_wait3A_159 : memref<10240x128xf32, #tpu.memory_space<vmem_shared>>)
      %mul3A_160 = arith.constant 72 : i32
      %mul3A_161 = arith.muli %select_n3A_93, %mul3A_160 : i32
      %dma_start3A_162 = tpu.memref_slice %arg7[%mul3A_161] : memref<10000xi32, #tpu.memory_space<vmem>> -> memref<72xi32, #tpu.memory_space<vmem>>
      %dma_start3A_163 = arith.constant 0 : i32
      %dma_start3A_164 = arith.constant 0 : i32
      %dma_start3A_165 = tpu.memref_slice %arg2[%dma_start3A_163, %dma_start3A_164] : memref<10000x128xf32, #tpu.memory_space<hbm>> -> memref<10000x128xf32, #tpu.memory_space<hbm>>
      tpu.enqueue_indirect_dma source(%dma_start3A_165 : memref<10000x128xf32, #tpu.memory_space<hbm>>) target(%arg11 : memref<72x128xf32, #tpu.memory_space<vmem>>) offsets(%dma_start3A_162 : memref<72xi32, #tpu.memory_space<vmem>>) semaphore(%arg15 : memref<!tpu.dma_semaphore, #tpu.memory_space<semaphore_mem>>)
    }
    %scan3A_26 = arith.constant 46 : i32
    %dma_wait3A = arith.constant 0 : i32
    %dma_wait3A_27 = tpu.memref_slice %arg7[%dma_wait3A] : memref<10000xi32, #tpu.memory_space<vmem>> -> memref<72xi32, #tpu.memory_space<vmem>>
    %dma_wait3A_28 = arith.constant 0 : i32
    %dma_wait3A_29 = arith.constant 0 : i32
    %dma_wait3A_30 = tpu.memref_slice %arg2[%dma_wait3A_28, %dma_wait3A_29] : memref<10000x128xf32, #tpu.memory_space<hbm>> -> memref<10000x128xf32, #tpu.memory_space<hbm>>
    tpu.wait_indirect_dma semaphore(%arg13 : memref<!tpu.dma_semaphore, #tpu.memory_space<semaphore_mem>>) src(%dma_wait3A_30 : memref<10000x128xf32, #tpu.memory_space<hbm>>) dst(%arg9 : memref<72x128xf32, #tpu.memory_space<vmem>>)
    %dma_wait3A_31 = arith.constant 0 : i32
    %dma_wait3A_32 = tpu.memref_slice %arg7[%dma_wait3A_31] : memref<10000xi32, #tpu.memory_space<vmem>> -> memref<72xi32, #tpu.memory_space<vmem>>
    %dma_wait3A_33 = arith.constant 0 : i32
    %dma_wait3A_34 = arith.constant 0 : i32
    %dma_wait3A_35 = tpu.memref_slice %arg2[%dma_wait3A_33, %dma_wait3A_34] : memref<10000x128xf32, #tpu.memory_space<hbm>> -> memref<10000x128xf32, #tpu.memory_space<hbm>>
    tpu.wait_indirect_dma semaphore(%arg14 : memref<!tpu.dma_semaphore, #tpu.memory_space<semaphore_mem>>) src(%dma_wait3A_35 : memref<10000x128xf32, #tpu.memory_space<hbm>>) dst(%arg10 : memref<72x128xf32, #tpu.memory_space<vmem>>)
    %dma_wait3A_36 = arith.constant 0 : i32
    %dma_wait3A_37 = tpu.memref_slice %arg7[%dma_wait3A_36] : memref<10000xi32, #tpu.memory_space<vmem>> -> memref<72xi32, #tpu.memory_space<vmem>>
    %dma_wait3A_38 = arith.constant 0 : i32
    %dma_wait3A_39 = arith.constant 0 : i32
    %dma_wait3A_40 = tpu.memref_slice %arg2[%dma_wait3A_38, %dma_wait3A_39] : memref<10000x128xf32, #tpu.memory_space<hbm>> -> memref<10000x128xf32, #tpu.memory_space<hbm>>
    tpu.wait_indirect_dma semaphore(%arg15 : memref<!tpu.dma_semaphore, #tpu.memory_space<semaphore_mem>>) src(%dma_wait3A_40 : memref<10000x128xf32, #tpu.memory_space<hbm>>) dst(%arg11 : memref<72x128xf32, #tpu.memory_space<vmem>>)
    %dma_start3A_41 = arith.constant 0 : i32
    %dma_start3A_42 = arith.constant 0 : i32
    %dma_start3A_43 = tpu.memref_slice %arg9[%dma_start3A_41, %dma_start3A_42] : memref<72x128xf32, #tpu.memory_space<vmem>> -> memref<64x128xf32, #tpu.memory_space<vmem>>
    %dma_start3A_44 = arith.constant 9936 : i32
    %dma_start3A_45 = tpu.memref_slice %arg7[%dma_start3A_44] : memref<10000xi32, #tpu.memory_space<vmem>> -> memref<64xi32, #tpu.memory_space<vmem>>
    %dma_start3A_46 = arith.constant 0 : i32
    %dma_start3A_47 = arith.constant 0 : i32
    %dma_start3A_48 = tpu.memref_slice %arg2[%dma_start3A_46, %dma_start3A_47] : memref<10000x128xf32, #tpu.memory_space<hbm>> -> memref<10000x128xf32, #tpu.memory_space<hbm>>
    tpu.enqueue_indirect_dma source(%dma_start3A_48 : memref<10000x128xf32, #tpu.memory_space<hbm>>) target(%dma_start3A_43 : memref<64x128xf32, #tpu.memory_space<vmem>>) offsets(%dma_start3A_45 : memref<64xi32, #tpu.memory_space<vmem>>) semaphore(%arg13 : memref<!tpu.dma_semaphore, #tpu.memory_space<semaphore_mem>>)
    %dma_wait3A_49 = arith.constant 0 : i32
    %dma_wait3A_50 = arith.constant 0 : i32
    %dma_wait3A_51 = tpu.memref_slice %arg9[%dma_wait3A_49, %dma_wait3A_50] : memref<72x128xf32, #tpu.memory_space<vmem>> -> memref<64x128xf32, #tpu.memory_space<vmem>>
    %dma_wait3A_52 = arith.constant 9936 : i32
    %dma_wait3A_53 = tpu.memref_slice %arg7[%dma_wait3A_52] : memref<10000xi32, #tpu.memory_space<vmem>> -> memref<64xi32, #tpu.memory_space<vmem>>
    %dma_wait3A_54 = arith.constant 0 : i32
    %dma_wait3A_55 = arith.constant 0 : i32
    %dma_wait3A_56 = tpu.memref_slice %arg2[%dma_wait3A_54, %dma_wait3A_55] : memref<10000x128xf32, #tpu.memory_space<hbm>> -> memref<10000x128xf32, #tpu.memory_space<hbm>>
    tpu.wait_indirect_dma semaphore(%arg13 : memref<!tpu.dma_semaphore, #tpu.memory_space<semaphore_mem>>) src(%dma_wait3A_56 : memref<10000x128xf32, #tpu.memory_space<hbm>>) dst(%dma_wait3A_51 : memref<64x128xf32, #tpu.memory_space<vmem>>)
    "tpu.region"() ({
      %run_scoped3A = tpu.sem_alloc : memref<!tpu.dma_semaphore, #tpu.memory_space<semaphore_mem>>
      %dma_start3A_62 = arith.constant 0 : i32
      %dma_start3A_63 = arith.constant 0 : i32
      %dma_start3A_64 = tpu.memref_slice %arg9[%dma_start3A_62, %dma_start3A_63] : memref<72x128xf32, #tpu.memory_space<vmem>> -> memref<64x128xf32, #tpu.memory_space<vmem>>
      %dma_start3A_65 = arith.constant 9936 : i32
      %dma_start3A_66 = tpu.memref_slice %arg8[%dma_start3A_65] : memref<10000xi32, #tpu.memory_space<vmem>> -> memref<64xi32, #tpu.memory_space<vmem>>
      %dma_start3A_67 = arith.constant 0 : i32
      %dma_start3A_68 = arith.constant 0 : i32
      %dma_start3A_69 = tpu.memref_slice %arg12[%dma_start3A_67, %dma_start3A_68] : memref<10240x128xf32, #tpu.memory_space<vmem_shared>> -> memref<10240x128xf32, #tpu.memory_space<vmem_shared>>
      tpu.enqueue_indirect_dma source(%dma_start3A_64 : memref<64x128xf32, #tpu.memory_space<vmem>>) target(%dma_start3A_69 : memref<10240x128xf32, #tpu.memory_space<vmem_shared>>) offsets(%dma_start3A_66 : memref<64xi32, #tpu.memory_space<vmem>>) semaphore(%run_scoped3A : memref<!tpu.dma_semaphore, #tpu.memory_space<semaphore_mem>>) {add = true}
      %dma_wait3A_70 = arith.constant 0 : i32
      %dma_wait3A_71 = arith.constant 0 : i32
      %dma_wait3A_72 = tpu.memref_slice %arg9[%dma_wait3A_70, %dma_wait3A_71] : memref<72x128xf32, #tpu.memory_space<vmem>> -> memref<64x128xf32, #tpu.memory_space<vmem>>
      %dma_wait3A_73 = arith.constant 9936 : i32
      %dma_wait3A_74 = tpu.memref_slice %arg8[%dma_wait3A_73] : memref<10000xi32, #tpu.memory_space<vmem>> -> memref<64xi32, #tpu.memory_space<vmem>>
      %dma_wait3A_75 = arith.constant 0 : i32
      %dma_wait3A_76 = arith.constant 0 : i32
      %dma_wait3A_77 = tpu.memref_slice %arg12[%dma_wait3A_75, %dma_wait3A_76] : memref<10240x128xf32, #tpu.memory_space<vmem_shared>> -> memref<10240x128xf32, #tpu.memory_space<vmem_shared>>
      tpu.wait_indirect_dma semaphore(%run_scoped3A : memref<!tpu.dma_semaphore, #tpu.memory_space<semaphore_mem>>) src(%dma_wait3A_72 : memref<64x128xf32, #tpu.memory_space<vmem>>) dst(%dma_wait3A_77 : memref<10240x128xf32, #tpu.memory_space<vmem_shared>>)
      tpu.yield
    }) : () -> ()
    %barrier3A_57 = arith.constant 0 : index
    tpu.barrier barrier_id(%barrier3A_57)
    %mul3A_58 = arith.constant 640 : i32
    %mul3A_59 = arith.muli %arg1, %mul3A_58 : i32
    %mul3A_60 = arith.constant 640 : i32
    %mul3A_61 = arith.muli %arg1, %mul3A_60 : i32
    "tpu.region"() ({
      %run_scoped3A = tpu.sem_alloc : memref<!tpu.dma_semaphore, #tpu.memory_space<semaphore_mem>>
      %dma_start3A_62 = arith.constant 0 : i32
      %dma_start3A_63 = arith.constant 0 : i32
      %dma_start3A_64 = tpu.memref_slice %arg6[%arg0, %dma_start3A_62, %dma_start3A_63] : memref<2x10240x128xf32, #tpu.memory_space<hbm>> -> memref<1x10240x128xf32, #tpu.memory_space<hbm>>
      %dma_start3A_65 = tpu.memref_squeeze %dma_start3A_64 : memref<1x10240x128xf32, #tpu.memory_space<hbm>> -> memref<10240x128xf32, #tpu.memory_space<hbm>>
      %dma_start3A_66 = arith.constant 0 : i32
      %dma_start3A_67 = tpu.memref_slice %dma_start3A_65[%mul3A_61, %dma_start3A_66] : memref<10240x128xf32, #tpu.memory_space<hbm>> -> memref<640x128xf32, #tpu.memory_space<hbm>>
      %dma_start3A_68 = arith.constant 0 : i32
      %dma_start3A_69 = tpu.memref_slice %arg12[%mul3A_59, %dma_start3A_68] : memref<10240x128xf32, #tpu.memory_space<vmem_shared>> -> memref<640x128xf32, #tpu.memory_space<vmem_shared>>
      tpu.enqueue_dma source(%dma_start3A_69 : memref<640x128xf32, #tpu.memory_space<vmem_shared>>) target(%dma_start3A_67 : memref<640x128xf32, #tpu.memory_space<hbm>>) target_semaphore(%run_scoped3A : memref<!tpu.dma_semaphore, #tpu.memory_space<semaphore_mem>>)
      %dma_wait3A_70 = arith.constant 0 : i32
      %dma_wait3A_71 = arith.constant 0 : i32
      %dma_wait3A_72 = tpu.memref_slice %arg6[%arg0, %dma_wait3A_70, %dma_wait3A_71] : memref<2x10240x128xf32, #tpu.memory_space<hbm>> -> memref<1x10240x128xf32, #tpu.memory_space<hbm>>
      %dma_wait3A_73 = tpu.memref_squeeze %dma_wait3A_72 : memref<1x10240x128xf32, #tpu.memory_space<hbm>> -> memref<10240x128xf32, #tpu.memory_space<hbm>>
      %dma_wait3A_74 = arith.constant 0 : i32
      %dma_wait3A_75 = tpu.memref_slice %dma_wait3A_73[%mul3A_61, %dma_wait3A_74] : memref<10240x128xf32, #tpu.memory_space<hbm>> -> memref<640x128xf32, #tpu.memory_space<hbm>>
      %dma_wait3A_76 = arith.constant 0 : i32
      %dma_wait3A_77 = tpu.memref_slice %arg12[%mul3A_59, %dma_wait3A_76] : memref<10240x128xf32, #tpu.memory_space<vmem_shared>> -> memref<640x128xf32, #tpu.memory_space<vmem_shared>>
      tpu.wait_dma2 semaphore(%run_scoped3A : memref<!tpu.dma_semaphore, #tpu.memory_space<semaphore_mem>>) src(%dma_wait3A_77 : memref<640x128xf32, #tpu.memory_space<vmem_shared>>) dst(%dma_wait3A_75 : memref<640x128xf32, #tpu.memory_space<hbm>>)
      tpu.yield
    }) : () -> ()
    return
  }
}

module attributes {stable_mosaic.version = 14 : i64} {
  func.func @_mm_scale_body(%arg0: i32, %arg1: memref<1024x128xf32, #tpu.memory_space<vmem>>, %arg2: memref<128x128xf32, #tpu.memory_space<vmem>>, %arg3: memref<32x1024xf32, #tpu.memory_space<vmem>>, %arg4: memref<1024x128xf32, #tpu.memory_space<vmem>>) attributes {dimension_semantics = [#tpu.dimension_semantics<arbitrary>], iteration_bounds = array<i64: 10>, scalar_prefetch = 0 : i64, scratch_operands = 0 : i64, tpu.core_type = #tpu.core_type<tc>, window_params = [{transform_indices = @transform_0, window_bounds = array<i64: 1024, 128>}, {pipeline_mode = #tpu.pipeline_mode<synchronous>, transform_indices = @transform_1, window_bounds = array<i64: 128, 128>}, {transform_indices = @transform_2, window_bounds = array<i64: 32, 1024>}, {transform_indices = @transform_3, window_bounds = array<i64: 1024, 128>}]} {
    %get3A = arith.constant 0 : index
    %get3A_0 = arith.constant 0 : index
    %get3A_1 = vector.load %arg1[%get3A, %get3A_0] : memref<1024x128xf32, #tpu.memory_space<vmem>>, vector<1024x128xf32>
    %get3A_2 = arith.constant 0 : index
    %get3A_3 = arith.constant 0 : index
    %get3A_4 = vector.load %arg2[%get3A_2, %get3A_3] : memref<128x128xf32, #tpu.memory_space<vmem>>, vector<128x128xf32>
    %dot_general3A = arith.constant dense<0.000000e+00> : vector<1024x128xf32>
    %dot_general3A_5 = tpu.matmul %get3A_1, %get3A_4, %dot_general3A {dimension_numbers = #tpu.dot_dimension_numbers<[1], [0], [0], [1], [0, 0, 1, 1], [], []>, transpose_lhs_hint = false} : vector<1024x128xf32>, vector<128x128xf32>, vector<1024x128xf32> -> vector<1024x128xf32>
    %get3A_6 = arith.constant 0 : index
    %get3A_7 = arith.constant 0 : index
    %get3A_8 = vector.load %arg3[%get3A_6, %get3A_7] : memref<32x1024xf32, #tpu.memory_space<vmem>>, vector<32x1024xf32>
    %reduce_sum3A = arith.constant dense<0.000000e+00> : vector<1024xf32>
    %reduce_sum3A_9 = vector.multi_reduction <add>, %get3A_8, %reduce_sum3A [0] : vector<32x1024xf32> to vector<1024xf32>
    %add3A = arith.constant 1.000000e+00 : f32
    %add3A_10 = vector.broadcast %add3A : f32 to vector<1024xf32>
    %add3A_11 = arith.addf %reduce_sum3A_9, %add3A_10 : vector<1024xf32>
    %rsqrt3A = math.rsqrt %add3A_11 : vector<1024xf32>
    %broadcast_in_dim3A = vector.shape_cast %rsqrt3A : vector<1024xf32> to vector<1024x1xf32>
    %mul3A = vector.broadcast %broadcast_in_dim3A : vector<1024x1xf32> to vector<1024x128xf32>
    %mul3A_12 = arith.mulf %dot_general3A_5, %mul3A : vector<1024x128xf32>
    %swap3A = arith.constant 0 : index
    %swap3A_13 = arith.constant 0 : index
    %swap3A_14 = vector.load %arg4[%swap3A, %swap3A_13] : memref<1024x128xf32, #tpu.memory_space<vmem>>, vector<1024x128xf32>
    tpu.vector_store %arg4[%swap3A, %swap3A_13], %mul3A_12 {strides = array<i32>} : memref<1024x128xf32, #tpu.memory_space<vmem>>, vector<1024x128xf32>,
    return
  }
  func.func @transform_0(%arg0: i32) -> (i32, i32) {
    %c0_i32 = arith.constant 0 : i32
    %c0_i32_0 = arith.constant 0 : i32
    return %arg0, %c0_i32 : i32, i32
  }
  func.func @transform_1(%arg0: i32) -> (i32, i32) {
    %c0_i32 = arith.constant 0 : i32
    %c0_i32_0 = arith.constant 0 : i32
    %c0_i32_1 = arith.constant 0 : i32
    return %c0_i32, %c0_i32_0 : i32, i32
  }
  func.func @transform_2(%arg0: i32) -> (i32, i32) {
    %c0_i32 = arith.constant 0 : i32
    %c0_i32_0 = arith.constant 0 : i32
    return %c0_i32, %arg0 : i32, i32
  }
  func.func @transform_3(%arg0: i32) -> (i32, i32) {
    %c0_i32 = arith.constant 0 : i32
    %c0_i32_0 = arith.constant 0 : i32
    return %arg0, %c0_i32 : i32, i32
  }
}

module attributes {stable_mosaic.version = 14 : i64} {
  func.func @_out_body(%arg0: i32, %arg1: memref<2x1024x128xf32, #tpu.memory_space<vmem>>, %arg2: memref<1024x128xf32, #tpu.memory_space<vmem>>, %arg3: memref<32x1024xf32, #tpu.memory_space<vmem>>, %arg4: memref<1x128xf32, #tpu.memory_space<vmem>>, %arg5: memref<1024x128xf32, #tpu.memory_space<vmem>>) attributes {dimension_semantics = [#tpu.dimension_semantics<arbitrary>], iteration_bounds = array<i64: 10>, scalar_prefetch = 0 : i64, scratch_operands = 0 : i64, tpu.core_type = #tpu.core_type<tc>, window_params = [{transform_indices = @transform_0, window_bounds = array<i64: 2, 1024, 128>}, {transform_indices = @transform_1, window_bounds = array<i64: 1024, 128>}, {transform_indices = @transform_2, window_bounds = array<i64: 32, 1024>}, {pipeline_mode = #tpu.pipeline_mode<synchronous>, transform_indices = @transform_3, window_bounds = array<i64: 1, 128>}, {transform_indices = @transform_4, window_bounds = array<i64: 1024, 128>}]} {
    %get3A = arith.constant 0 : index
    %get3A_0 = arith.constant 0 : index
    %get3A_1 = arith.constant 0 : index
    %get3A_2 = vector.load %arg1[%get3A, %get3A_0, %get3A_1] : memref<2x1024x128xf32, #tpu.memory_space<vmem>>, vector<2x1024x128xf32>
    %get3A_3 = arith.constant 0 : index
    %get3A_4 = arith.constant 0 : index
    %get3A_5 = vector.load %arg3[%get3A_3, %get3A_4] : memref<32x1024xf32, #tpu.memory_space<vmem>>, vector<32x1024xf32>
    %reduce_sum3A = arith.constant dense<0.000000e+00> : vector<1024xf32>
    %reduce_sum3A_6 = vector.multi_reduction <add>, %get3A_5, %reduce_sum3A [0] : vector<32x1024xf32> to vector<1024xf32>
    %add3A = arith.constant 1.000000e+00 : f32
    %add3A_7 = vector.broadcast %add3A : f32 to vector<1024xf32>
    %add3A_8 = arith.addf %reduce_sum3A_6, %add3A_7 : vector<1024xf32>
    %rsqrt3A = math.rsqrt %add3A_8 : vector<1024xf32>
    %broadcast_in_dim3A = vector.shape_cast %rsqrt3A : vector<1024xf32> to vector<1024x1xf32>
    %slice3A = vector.extract_strided_slice %get3A_2 {offsets = [0, 0, 0], sizes = [1, 1024, 128], strides = [1, 1, 1]} : vector<2x1024x128xf32> to vector<1x1024x128xf32>
    %squeeze3A = vector.shape_cast %slice3A : vector<1x1024x128xf32> to vector<1024x128xf32>
    %slice3A_9 = vector.extract_strided_slice %get3A_2 {offsets = [1, 0, 0], sizes = [1, 1024, 128], strides = [1, 1, 1]} : vector<2x1024x128xf32> to vector<1x1024x128xf32>
    %squeeze3A_10 = vector.shape_cast %slice3A_9 : vector<1x1024x128xf32> to vector<1024x128xf32>
    %add3A_11 = arith.addf %squeeze3A, %squeeze3A_10 : vector<1024x128xf32>
    %get3A_12 = arith.constant 0 : index
    %get3A_13 = arith.constant 0 : index
    %get3A_14 = vector.load %arg2[%get3A_12, %get3A_13] : memref<1024x128xf32, #tpu.memory_space<vmem>>, vector<1024x128xf32>
    %add3A_15 = arith.addf %add3A_11, %get3A_14 : vector<1024x128xf32>
    %mul3A = vector.broadcast %broadcast_in_dim3A : vector<1024x1xf32> to vector<1024x128xf32>
    %mul3A_16 = arith.mulf %mul3A, %add3A_15 : vector<1024x128xf32>
    %get3A_17 = arith.constant 0 : index
    %get3A_18 = arith.constant 0 : index
    %get3A_19 = vector.load %arg4[%get3A_17, %get3A_18] : memref<1x128xf32, #tpu.memory_space<vmem>>, vector<1x128xf32>
    %add3A_20 = vector.broadcast %get3A_19 : vector<1x128xf32> to vector<1024x128xf32>
    %add3A_21 = arith.addf %mul3A_16, %add3A_20 : vector<1024x128xf32>
    %swap3A = arith.constant 0 : index
    %swap3A_22 = arith.constant 0 : index
    %swap3A_23 = vector.load %arg5[%swap3A, %swap3A_22] : memref<1024x128xf32, #tpu.memory_space<vmem>>, vector<1024x128xf32>
    tpu.vector_store %arg5[%swap3A, %swap3A_22], %add3A_21 {strides = array<i32>} : memref<1024x128xf32, #tpu.memory_space<vmem>>, vector<1024x128xf32>,
    return
  }
  func.func @transform_0(%arg0: i32) -> (i32, i32, i32) {
    %c0_i32 = arith.constant 0 : i32
    %c0_i32_0 = arith.constant 0 : i32
    %c0_i32_1 = arith.constant 0 : i32
    return %c0_i32, %arg0, %c0_i32_0 : i32, i32, i32
  }
  func.func @transform_1(%arg0: i32) -> (i32, i32) {
    %c0_i32 = arith.constant 0 : i32
    %c0_i32_0 = arith.constant 0 : i32
    return %arg0, %c0_i32 : i32, i32
  }
  func.func @transform_2(%arg0: i32) -> (i32, i32) {
    %c0_i32 = arith.constant 0 : i32
    %c0_i32_0 = arith.constant 0 : i32
    return %c0_i32, %arg0 : i32, i32
  }
  func.func @transform_3(%arg0: i32) -> (i32, i32) {
    %c0_i32 = arith.constant 0 : i32
    %c0_i32_0 = arith.constant 0 : i32
    %c0_i32_1 = arith.constant 0 : i32
    return %c0_i32, %c0_i32_0 : i32, i32
  }
  func.func @transform_4(%arg0: i32) -> (i32, i32) {
    %c0_i32 = arith.constant 0 : i32
    %c0_i32_0 = arith.constant 0 : i32
    return %arg0, %c0_i32 : i32, i32
  }
}

module attributes {stable_mosaic.version = 14 : i64} {
  func.func @_mid_body(%arg0: i32, %arg1: memref<2x1024x128xf32, #tpu.memory_space<vmem>>, %arg2: memref<1024x128xf32, #tpu.memory_space<vmem>>, %arg3: memref<32x1024xf32, #tpu.memory_space<vmem>>, %arg4: memref<128x128xf32, #tpu.memory_space<vmem>>, %arg5: memref<1x128xf32, #tpu.memory_space<vmem>>, %arg6: memref<1024x128xf32, #tpu.memory_space<vmem>>) attributes {dimension_semantics = [#tpu.dimension_semantics<arbitrary>], iteration_bounds = array<i64: 10>, scalar_prefetch = 0 : i64, scratch_operands = 0 : i64, tpu.core_type = #tpu.core_type<tc>, window_params = [{transform_indices = @transform_0, window_bounds = array<i64: 2, 1024, 128>}, {transform_indices = @transform_1, window_bounds = array<i64: 1024, 128>}, {transform_indices = @transform_2, window_bounds = array<i64: 32, 1024>}, {pipeline_mode = #tpu.pipeline_mode<synchronous>, transform_indices = @transform_3, window_bounds = array<i64: 128, 128>}, {pipeline_mode = #tpu.pipeline_mode<synchronous>, transform_indices = @transform_4, window_bounds = array<i64: 1, 128>}, {transform_indices = @transform_5, window_bounds = array<i64: 1024, 128>}]} {
    %get3A = arith.constant 0 : index
    %get3A_0 = arith.constant 0 : index
    %get3A_1 = vector.load %arg3[%get3A, %get3A_0] : memref<32x1024xf32, #tpu.memory_space<vmem>>, vector<32x1024xf32>
    %reduce_sum3A = arith.constant dense<0.000000e+00> : vector<1024xf32>
    %reduce_sum3A_2 = vector.multi_reduction <add>, %get3A_1, %reduce_sum3A [0] : vector<32x1024xf32> to vector<1024xf32>
    %add3A = arith.constant 1.000000e+00 : f32
    %add3A_3 = vector.broadcast %add3A : f32 to vector<1024xf32>
    %add3A_4 = arith.addf %reduce_sum3A_2, %add3A_3 : vector<1024xf32>
    %rsqrt3A = math.rsqrt %add3A_4 : vector<1024xf32>
    %broadcast_in_dim3A = vector.shape_cast %rsqrt3A : vector<1024xf32> to vector<1024x1xf32>
    %get3A_5 = arith.constant 0 : index
    %get3A_6 = arith.constant 0 : index
    %get3A_7 = arith.constant 0 : index
    %get3A_8 = vector.load %arg1[%get3A_5, %get3A_6, %get3A_7] : memref<2x1024x128xf32, #tpu.memory_space<vmem>>, vector<2x1024x128xf32>
    %slice3A = vector.extract_strided_slice %get3A_8 {offsets = [0, 0, 0], sizes = [1, 1024, 128], strides = [1, 1, 1]} : vector<2x1024x128xf32> to vector<1x1024x128xf32>
    %squeeze3A = vector.shape_cast %slice3A : vector<1x1024x128xf32> to vector<1024x128xf32>
    %slice3A_9 = vector.extract_strided_slice %get3A_8 {offsets = [1, 0, 0], sizes = [1, 1024, 128], strides = [1, 1, 1]} : vector<2x1024x128xf32> to vector<1x1024x128xf32>
    %squeeze3A_10 = vector.shape_cast %slice3A_9 : vector<1x1024x128xf32> to vector<1024x128xf32>
    %add3A_11 = arith.addf %squeeze3A, %squeeze3A_10 : vector<1024x128xf32>
    %get3A_12 = arith.constant 0 : index
    %get3A_13 = arith.constant 0 : index
    %get3A_14 = vector.load %arg2[%get3A_12, %get3A_13] : memref<1024x128xf32, #tpu.memory_space<vmem>>, vector<1024x128xf32>
    %add3A_15 = arith.addf %add3A_11, %get3A_14 : vector<1024x128xf32>
    %mul3A = vector.broadcast %broadcast_in_dim3A : vector<1024x1xf32> to vector<1024x128xf32>
    %mul3A_16 = arith.mulf %mul3A, %add3A_15 : vector<1024x128xf32>
    %get3A_17 = arith.constant 0 : index
    %get3A_18 = arith.constant 0 : index
    %get3A_19 = vector.load %arg5[%get3A_17, %get3A_18] : memref<1x128xf32, #tpu.memory_space<vmem>>, vector<1x128xf32>
    %add3A_20 = vector.broadcast %get3A_19 : vector<1x128xf32> to vector<1024x128xf32>
    %add3A_21 = arith.addf %mul3A_16, %add3A_20 : vector<1024x128xf32>
    %max3A = arith.constant 0.000000e+00 : f32
    %max3A_22 = vector.broadcast %max3A : f32 to vector<1024x128xf32>
    %max3A_23 = arith.maximumf %add3A_21, %max3A_22 : vector<1024x128xf32>
    %get3A_24 = arith.constant 0 : index
    %get3A_25 = arith.constant 0 : index
    %get3A_26 = vector.load %arg4[%get3A_24, %get3A_25] : memref<128x128xf32, #tpu.memory_space<vmem>>, vector<128x128xf32>
    %dot_general3A = arith.constant dense<0.000000e+00> : vector<1024x128xf32>
    %dot_general3A_27 = tpu.matmul %max3A_23, %get3A_26, %dot_general3A {dimension_numbers = #tpu.dot_dimension_numbers<[1], [0], [0], [1], [0, 0, 1, 1], [], []>, transpose_lhs_hint = false} : vector<1024x128xf32>, vector<128x128xf32>, vector<1024x128xf32> -> vector<1024x128xf32>
    %mul3A_28 = vector.broadcast %broadcast_in_dim3A : vector<1024x1xf32> to vector<1024x128xf32>
    %mul3A_29 = arith.mulf %dot_general3A_27, %mul3A_28 : vector<1024x128xf32>
    %swap3A = arith.constant 0 : index
    %swap3A_30 = arith.constant 0 : index
    %swap3A_31 = vector.load %arg6[%swap3A, %swap3A_30] : memref<1024x128xf32, #tpu.memory_space<vmem>>, vector<1024x128xf32>
    tpu.vector_store %arg6[%swap3A, %swap3A_30], %mul3A_29 {strides = array<i32>} : memref<1024x128xf32, #tpu.memory_space<vmem>>, vector<1024x128xf32>,
    return
  }
  func.func @transform_0(%arg0: i32) -> (i32, i32, i32) {
    %c0_i32 = arith.constant 0 : i32
    %c0_i32_0 = arith.constant 0 : i32
    %c0_i32_1 = arith.constant 0 : i32
    return %c0_i32, %arg0, %c0_i32_0 : i32, i32, i32
  }
  func.func @transform_1(%arg0: i32) -> (i32, i32) {
    %c0_i32 = arith.constant 0 : i32
    %c0_i32_0 = arith.constant 0 : i32
    return %arg0, %c0_i32 : i32, i32
  }
  func.func @transform_2(%arg0: i32) -> (i32, i32) {
    %c0_i32 = arith.constant 0 : i32
    %c0_i32_0 = arith.constant 0 : i32
    return %c0_i32, %arg0 : i32, i32
  }
  func.func @transform_3(%arg0: i32) -> (i32, i32) {
    %c0_i32 = arith.constant 0 : i32
    %c0_i32_0 = arith.constant 0 : i32
    %c0_i32_1 = arith.constant 0 : i32
    return %c0_i32, %c0_i32_0 : i32, i32
  }
  func.func @transform_4(%arg0: i32) -> (i32, i32) {
    %c0_i32 = arith.constant 0 : i32
    %c0_i32_0 = arith.constant 0 : i32
    %c0_i32_1 = arith.constant 0 : i32
    return %c0_i32, %c0_i32_0 : i32, i32
  }
  func.func @transform_5(%arg0: i32) -> (i32, i32) {
    %c0_i32 = arith.constant 0 : i32
    %c0_i32_0 = arith.constant 0 : i32
    return %arg0, %c0_i32 : i32, i32
  }
}

</mosaic_0001>

<sc_bundles>
// kernel: kernel.11.cloned.1.call-start
scs
__scs_entry_jumppad:
0x0: {  	(pc) =	sbr.rel $0x88, $3  }
0x1: {  	(tag) =	ssettag $0x0;
	lr =	simm.s32 $0x1  }
0x2: {  	[smem:$0x3F9B] =	sst lr;
	_ =	strace $0xD0000000  }
0x3: {  	_ = 	snop  }
0x4: {  	_ = 	snop  }
0x5: {  	_ = 	snop  }
0x6: {  	_ = 	snop  }
0x7: {  	_ = 	snop  }
__scs_overlays_trampoline_lowered:
0x8: {  	[smem:$0x3FAA] =	sst s0  }
0x9: {  	[smem:$0x3FAB] =	sst s1  }
0xa: {  	[smem:$0x3FAC] =	sst s2  }
0xb: {  	[smem:$0x3FAD] =	sst s3  }
0xc: {  	[smem:$0x3FAE] =	sst s4  }
0xd: {  	[smem:$0x3FAF] =	sst s5  }
0xe: {  	[smem:$0x3FB0] =	sst s6  }
0xf: {  	[smem:$0x3FB1] =	sst s7  }
0x10: {  	[smem:$0x3FB2] =	sst s8  }
0x11: {  	[smem:$0x3FB3] =	sst s9;
	s0 =	simm.s32 @!p0 $0x0  }
0x12: {  	s1 =	sld [smem:$0x3F99];
	s0 =	simm.s32 @p0 $0x1  }
0x13: {  	[smem:$0x3FB4] =	sst s0;
	s0 =	simm.s32 @!p1 $0x0  }
0x14: {  	s2 =	sld [smem:$0x3F98];
	s0 =	simm.s32 @p1 $0x1  }
0x15: {  	[smem:$0x3FB5] =	sst s0;
	s0 =	simm.s32 @!p2 $0x0  }
0x16: {  	s3 =	sld [smem:$0x3FDB];
	s0 =	simm.s32 @p2 $0x1  }
0x17: {  	s4 =	simm.s32 $0x1BF5;
	[smem:$0x3FB7] =	sst s0  }
0x18: {  	s0 =	sld [smem:$0x3F9A];
	_ =	swait.ge [sflag:s4], $0x0  }
0x19: {  	s7 =	sld [smem:$0x3F9B]  }
0x1a: {  	s8 =	sadd.s32 $0xFFFFE003, lr  }
0x1b: {  	s9 =	sadd.s32 $0xFFFFFEF7, lr;
	s5 =	simm.s32 $0xFFFFFFFF;
	p2 =	slt.u32 s8, $0xFFFFF086  }
0x1c: {  	p1 =	slt.u32 s9, $0xF7A;
	s5 =	simm.s32 @!p2 $0x0  }
0x1d: {  	s5 =	simm.s32 @p1 $0x1;
	p0 =	seq.s32 s7, s2  }
0x1e: {  	s7 =	smul.u32 @!p0 $0xF7A, s2;
	p2 =	seq.s32 @!p0 s5, $0x0  }
0x1f: {  	s9 =	smul.u32 $0xF7A, s1;
	s8 =	simm.s32 @!p0 $0x1BF5;
	p2 =	por !p2, p0  }
0x20: {  	[sflag:s8] =	ssyncset.s32 @!p0 $0xFFFFF086;
	s6 =	sadd.s32 @!p0 s3, s7;
	s7 =	simm.s32 @!p0 $0x108  }
0x21: {  	s3 =	sadd.s32 s3, s9;
	s6 =	sadd.s32 @!p0 $0x88, s6;
	s7 =	simm.s32 @p2 $0x1082  }
0x22: {  	[simem:s7], [sflag:s8] =	dma.local @!p0 [hbm:s6], $0xF7A  }
0x23: {  	s9 =	sor.u32 $0xD0000000, s2;
	s6 =	simm.s32 $0x108;
	_ =	swait.ge @!p0 [sflag:s8], $0x0  }
0x24: {  	s3 =	sadd.s32 $0x88, s3;
	s6 =	simm.s32 @!p1 $0x1082;
	[sflag:s4] =	ssyncset.s32 $0xFFFFF086  }
0x25: {  	[simem:s6], [sflag:s4] =	dma.local [hbm:s3], $0xF7A  }
0x26: {  	[smem:$0x3F9B] =	sst s1;
	(tag) =	ssettag s2;
	_ =	strace s9  }
0x27: {  	s1 =	sld [smem:$0x3FAB]  }
0x28: {  	s2 =	sld [smem:$0x3FAC]  }
0x29: {  	s4 =	sld [smem:$0x3FAE]  }
0x2a: {  	p0 =	seq.s32 s5, $0x0;
	s5 =	sld [smem:$0x3FAF]  }
0x2b: {  	s6 =	sld [smem:$0x3FB0]  }
0x2c: {  	s7 =	sld [smem:$0x3FB1]  }
0x2d: {  	s3 =	simm.s32 $0x108;
	s8 =	sld [smem:$0x3FB2]  }
0x2e: {  	s3 =	simm.s32 @!p0 $0x1082;
	s9 =	sld [smem:$0x3FB3]  }
0x2f: {  	lr =	sadd.s32 s0, s3;
	s0 =	sld [smem:$0x3FAA]  }
0x30: {  	s3 =	sld [smem:$0x3FAD]  }
0x31: {  	[smem:$0x3FB6] =	sst s10  }
0x32: {  	s10 =	sld [smem:$0x3FB4];
	_ =	sdelay $0x3  }
0x33: {  	p0 =	seq.s32 s10, $0x1;
	s10 =	sld [smem:$0x3FB6];
	_ =	sdelay $0x3  }
0x34: {  	[smem:$0x3FB6] =	sst s10  }
0x35: {  	s10 =	sld [smem:$0x3FB5];
	_ =	sdelay $0x3  }
0x36: {  	p1 =	seq.s32 s10, $0x1;
	s10 =	sld [smem:$0x3FB6];
	_ =	sdelay $0x3  }
0x37: {  	[smem:$0x3FB6] =	sst s10  }
0x38: {  	s10 =	sld [smem:$0x3FB7]  }
0x39: {  	_ = 	snop;
	(pc) =	sbr.ind lr, $3  }
0x3a: {  	_ = 	snop  }
0x3b: {  	_ = 	snop  }
0x3c: {  	p2 =	seq.s32 s10, $0x1;
	s10 =	sld [smem:$0x3FB6]  }
0x3d: {  	_ =	shalt  }
0x3e: {  	_ =	shalt  }
0x3f: {  	_ =	shalt  }
0x40: {  	_ =	shalt  }
0x41: {  	_ =	shalt  }
0x42: {  	_ =	shalt  }
0x43: {  	_ =	shalt  }
0x44: {  	_ =	shalt  }
0x45: {  	_ =	shalt  }
0x46: {  	_ =	shalt  }
0x47: {  	_ =	shalt  }
0x48: {  	_ =	shalt  }
0x49: {  	_ =	shalt  }
0x4a: {  	_ =	shalt  }
0x4b: {  	_ =	shalt  }
0x4c: {  	_ =	shalt  }
0x4d: {  	_ =	shalt  }
0x4e: {  	_ =	shalt  }
0x4f: {  	_ =	shalt  }
0x50: {  	_ =	shalt  }
0x51: {  	_ =	shalt  }
0x52: {  	_ =	shalt  }
0x53: {  	_ =	shalt  }
0x54: {  	_ =	shalt  }
0x55: {  	_ =	shalt  }
0x56: {  	_ =	shalt  }
0x57: {  	_ =	shalt  }
0x58: {  	_ =	shalt  }
0x59: {  	_ =	shalt  }
0x5a: {  	_ =	shalt  }
0x5b: {  	_ =	shalt  }
0x5c: {  	_ =	shalt  }
0x5d: {  	_ =	shalt  }
0x5e: {  	_ =	shalt  }
0x5f: {  	_ =	shalt  }
0x60: {  	_ =	shalt  }
0x61: {  	_ =	shalt  }
0x62: {  	_ =	shalt  }
0x63: {  	_ =	shalt  }
0x64: {  	_ =	shalt  }
0x65: {  	_ =	shalt  }
0x66: {  	_ =	shalt  }
0x67: {  	_ =	shalt  }
0x68: {  	_ =	shalt  }
0x69: {  	_ =	shalt  }
0x6a: {  	_ =	shalt  }
0x6b: {  	_ =	shalt  }
0x6c: {  	_ =	shalt  }
0x6d: {  	_ =	shalt  }
0x6e: {  	_ =	shalt  }
0x6f: {  	_ =	shalt  }
0x70: {  	_ =	shalt  }
0x71: {  	_ =	shalt  }
0x72: {  	_ =	shalt  }
0x73: {  	_ =	shalt  }
0x74: {  	_ =	shalt  }
0x75: {  	_ =	shalt  }
0x76: {  	_ =	shalt  }
0x77: {  	_ =	shalt  }
0x78: {  	_ =	shalt  }
0x79: {  	_ =	shalt  }
0x7a: {  	_ =	shalt  }
0x7b: {  	_ =	shalt  }
0x7c: {  	_ =	shalt  }
0x7d: {  	_ =	shalt  }
0x7e: {  	_ =	shalt  }
0x7f: {  	_ =	shalt  }
0x80: {  	_ =	shalt  }
0x81: {  	_ =	shalt  }
0x82: {  	_ =	shalt  }
0x83: {  	_ =	shalt  }
0x84: {  	_ =	shalt  }
0x85: {  	_ =	shalt  }
0x86: {  	_ =	shalt  }
0x87: {  	_ =	shalt  }
.Lfunc_end0:
.L_simem_size_0:
called_computation.1_lowered:
.L_overlay_start_0:
0x88: {  	s2 =	sld [smem:$0x3FD9]  }
0x89: {  	s3 =	sld [smem:$0x3FFE];
	_ =	sdelay $0x1  }
0x8a: {  	s1 =	srdreg.scid  }
0x8b: {  	s0 =	sand.u32 $0x1, s1  }
0x8c: {  	s17 =	sshll.u32 s0, $0xA;
	s2 =	sadd.s32 s3, s2  }
0x8d: {  	s2 =	sadd.s32 s2, s17  }
0x8e: {  	[smem:$0x3FC2] =	sst s2  }
0x8f: {  	_ = 	snop  }
0x90: {  	s2 =	sld [smem:$0x3FD0];
	(tm) =	ssettm $0x1  }
0x91: {  	s18 =	sld [smem:$0x3FFB];
	_ =	sdelay $0x3  }
0x92: {  	_ =	strace s18  }
0x93: {  	s3 =	sld [smem:$0x3FFC];
	_ =	sdelay $0x3  }
0x94: {  	_ =	strace s3  }
0x95: {  	s3 =	sld [smem:$0x3FFD];
	_ =	sdelay $0x3  }
0x96: {  	_ =	strace s3  }
0x97: {  	_ =	strace $0x8FFFFFFF  }
0x98: {  	s19 =	sld [smem:$0x3FDB];
	_ =	sdelay $0x1  }
0x99: {  	s4 =	simm.s32 $_scs_section_size  }
0x9a: {  	s5 =	simm.s32 $_size__tile_overlayer_lowered;
	s6 =	simm.s32 $_tile_overlayer_lowered  }
0x9b: {  	s22 =	simm.s32 $0x1BFF;
	s21 =	sshll.u32 s6, $0x1;
	s3 =	sadd.s32 s4, s19  }
0x9c: {  	s7 =	simm.s32 $0x0;
	s20 =	sshll.u32 s5, $0x1;
	s5 =	sadd.s32 s21, s3  }
0x9d: {  	[timem:s7], [sflag:s22] =	dma.local [hbm:s5], s20  }
0x9e: {  	_ =	swait.ge [sflag:s22], s20  }
0x9f: {  	s4 =	ssub.s32 $0x0, s20;
	[sflag:s22] =	ssyncset.done $0x0  }
0xa0: {  	[sflag:s22] =	ssyncadd.s32 s4;
	_ =	sdelay $0x1  }
0xa1: {  	s23 =	simm.s32 $0x1B8B  }
0xa2: {  	_ =	swait.ge [sflag:s23], $0x1  }
0xa3: {  	[sflag:s23] =	ssyncset.done $0x0  }
0xa4: {  	s25 =	simm.s32 $0x1B8E;
	s24 =	sld [smem:$0x3FFE];
	[sflag:s23] =	ssyncadd.s32 $0xFFFFFFFF  }
0xa5: {  	s26 =	simm.s32 $execute0_lowered;
	[smem:$0x3FD2] =	sst s25  }
0xa6: {  	s5 =	sshll.u32 s26, $0x1;
	_ =	strace $0x80000049;
	[dreg:$0x1] =	wrdreg $0xFFFFFFFF  }
0xa7: {  	s28 =	simm.s32 $_size_execute0_lowered;
	s3 =	sadd.s32 s3, s5;
	[dreg:$0x0] =	wrdreg $0x0  }
0xa8: {  	s5 =	sshll.u32 s28, $0x1;
	[dreg:$0x2] =	wrdreg s3  }
0xa9: {  	[dreg:$0x3] =	wrdreg s5  }
0xaa: {  	[dreg:$0x4] =	wrdreg $0xC0  }
0xab: {  	_ =	task [dreg:s7], $0x5FFFF  }
0xac: {  	[dreg:$0x1] =	wrdreg $0xFFFFFFFF  }
0xad: {  	[dreg:$0x0] =	wrdreg $0x60  }
0xae: {  	[dreg:$0x2] =	wrdreg s2  }
0xaf: {  	[dreg:$0x3] =	wrdreg s24  }
0xb0: {  	[dreg:$0x4] =	wrdreg $0xBB000  }
0xb1: {  	[dreg:$0x5] =	wrdreg $0x9  }
0xb2: {  	_ =	task.clear_ibuf [dreg:s7], $0x6FFFF;
	_ =	strace $0x90000049  }
0xb3: {  	s29 =	simm.s32 $0x9;
	_ =	strace $0x8000004B  }
0xb4: {  	_ =	swait.ge [sflag:s29], $0x1  }
0xb5: {  	[sflag:s29] =	ssyncadd.s32 $0xFFFFFFFF  }
0xb6: {  	_ =	strace $0x9000004B  }
0xb7: {  	_ =	sfence  }
0xb8: {  	s30 =	sld [smem:$0x0];
	_ =	sdelay $0x2  }
0xb9: {  	s31 =	sshll.u32 s1, $0xD;
	s1 =	sshrl.u32 s1, $0x2  }
0xba: {  	s3 =	sand.u32 $0x4000, s31;
	s1 =	sadd.s32 s1, s30  }
0xbb: {  	s0 =	sor.u32 s3, s0;
	s1 =	sshll.u32 s1, $0x11  }
0xbc: {  	s0 =	sor.u32 s1, s0  }
0xbd: {  	s0 =	sadd.s32 $0x8F2B, s0  }
0xbe: {  	[sflag:s0] =	ssyncadd.remote.s32 $0x1  }
0xbf: {  	_ =	sfence.sel $0xFFFF  }
0xc0: {  	[dreg:$0x0] =	wrdreg $0xFFFFFFFF;
	(pc) =	sbr.abs _section_cstart, $3  }
0xc1: {  	[dreg:$0x1] =	wrdreg $0xFFFFFFFF  }
0xc2: {  	_ =	task.clear_ibuf [dreg:s7], $0x2FFFF;
	_ =	strace $0x9FFFFFFF  }
0xc3: {  	(tm) =	ssettm $0x7FFFFFFF  }
tec
execute0_lowered:
.L_overlay_start_1:
0x0: {  	(tag) =	ssettag $0x1  }
0x1: {  	s1 =	rddreg [dreg:$0x0]  }
0x2: {  	s0 =	srdreg.scid;
	s5 =	rddreg [dreg:$0x1]  }
0x3: {  	s12 =	stileid.u32;
	s3 =	rddreg [dreg:$0x2]  }
0x4: {  	s4 =	simm.s32 $0x0;
	s13 =	simm.s32 $0x48;
	s14 =	simm.s32 $0x4F00  }
0x5: {  	s15 =	simm.s32 $0x7300;
	s17 =	simm.s32 $0x9700;
	s18 =	simm.s32 $0x1  }
0x6: {  	s19 =	simm.s32 $0x2;
	s20 =	simm.s32 $0x4;
	s21 =	simm.s32 $0x3  }
0x7: {  	s22 =	simm.s32 $0x5;
	s23 =	simm.s32 $0x6;
	s28 =	simm.s32 $0x4E08  }
0x8: {  	s29 =	simm.s32 $0x40;
	s30 =	simm.s32 $0x26D0;
	s31 =	simm.s32 $0x4E50  }
0x9: {  	s0 =	sand.u32 $0x1, s0;
	s10 =	smul.u32 $0x2800, s12;
	[smem:$0x7FF] =	sst s4  }
0xa: {  	s7 =	smul.u32 $0x50000, s12;
	s26 =	sshll.u32 s12, $0x6;
	s2 =	sshll.u32 s0, $0x4  }
0xb: {  	s6 =	smul.u32 $0x28000, s0;
	_ =	strace $0x8000004A;
	s0 =	ssub.s32 $0x2, s0  }
0xc: {  	s2 =	sor.u32 s12, s2;
	s8 =	sadd.s32 s10, s5;
	s9 =	sshrl.u32 s0, $0x1  }
0xd: {  	s7 =	sshrl.u32 s7, $0x2;
	s2 =	smul.u32 $0x4E2, s2;
	s11 =	sadd.s32 s6, s5  }
0xe: {  	s0 =	ssub.s32 s0, s9;
	s25 =	sadd.s32 s7, s3;
	s7 =	sadd.s32 $0x15E00, s8  }
0xf: {  	s9 =	simm.s32 $0x7;
	s24 =	sadd.s32 $0x3DE00, s11;
	s8 =	smax.u32 s0, $0x1  }
0x10: {  	s11 =	sor.u32 $0x1C07, s26;
	s12 =	sshrl.u32 s25, $0x3;
	s25 =	simm.s32 $0x4D78  }
0x11: {  	s26 =	simm.s32 $0x4DC0;
	s2 =	sadd.s32 s2, s5;
	s24 =	sadd.s32 s10, s24  }
0x12: {  	s5 =	sadd.s32 $0x2200, s2;
	s6 =	sadd.s32 $0xC000, s2;
	s2 =	simm.s32 $0x0  }
.LBB2_1:
0x13: {  	[tilespmem:s4], [sflag:$0x7] =	stream.linear.gather [hbm4b:s5+s4], $0x2710, $0x38;
	[tilespmem:$0x1FB00] =	vst v63  }
0x14: {  	_ =	swait.ge [sflag:s9], $0x2710  }
0x15: {  	[sflag:s9] =	ssyncset.done $0x0  }
0x16: {  	s0 =	simm.s32 $0x2780;
	[sflag:s9] =	ssyncadd.s32 $0xFFFFD8F0  }
0x17: {  	[tilespmem:s0], [sflag:$0x7] =	stream.linear.gather [hbm4b:s6+s4], $0x2710, $0x38;
	[tilespmem:$0x1FB00] =	vst v63  }
0x18: {  	_ =	swait.ge [sflag:s9], $0x2710  }
0x19: {  	[sflag:s9] =	ssyncset.done $0x0  }
0x1a: {  	[sflag:s9] =	ssyncadd.s32 $0xFFFFD8F0  }
0x1b: {  	[spmem:s12], [sflag:s11] =	dma.local [hbm:s7], $0x2800  }
0x1c: {  	_ =	swait.ge [sflag:s9], $0x2800  }
0x1d: {  	[sflag:s9] =	ssyncset.done $0x0  }
0x1e: {  	[sflag:s9] =	ssyncadd.s32 $0xFFFFD800  }
0x1f: {  	[bflag:$0x0] =	sbarrier.arrive $0xFFFF  }
0x20: {  	[tilespmem:s14], [sflag:$0x1] =	stream.indirect.gather [hbm4b:s1+s13], $0x80, s4, s13, $0xb8;
	[tilespmem:$0x1FB00] =	vst v63  }
0x21: {  	_ = 	snop  }
0x22: {  	[tilespmem:s15], [sflag:$0x2] =	stream.indirect.gather [hbm4b:s1+s13], $0x80, s13, s13, $0xb8;
	[tilespmem:$0x1FB00] =	vst v63  }
0x23: {  	s10 =	simm.s32 $0x90  }
0x24: {  	[tilespmem:s17], [sflag:$0x3] =	stream.indirect.gather [hbm4b:s1+s13], $0x80, s10, s13, $0xb8;
	[tilespmem:$0x1FB00] =	vst v63  }
0x25: {  	_ =	swait.ge [sflag:s18], $0x2400  }
0x26: {  	[sflag:s18] =	ssyncset.done $0x0  }
0x27: {  	s16 =	simm.s32 $0x2780;
	[sflag:s18] =	ssyncadd.s32 $0xFFFFDC00  }
0x28: {  	[spmem:s3] =	stream.indirect.scatter.add.f32 [tilespmem:s14], [sflag:$0x4], $0x80, s16, s13, $0xb8;
	[tilespmem:$0x1FB00] =	vst v63  }
0x29: {  	_ =	swait.ge [sflag:s19], $0x2400  }
0x2a: {  	[sflag:s19] =	ssyncset.done $0x0  }
0x2b: {  	s10 =	simm.s32 $0x27C8;
	[sflag:s19] =	ssyncadd.s32 $0xFFFFDC00  }
0x2c: {  	[spmem:s3] =	stream.indirect.scatter.add.f32 [tilespmem:s15], [sflag:$0x5], $0x80, s10, s13, $0xb8;
	[tilespmem:$0x1FB00] =	vst v63  }
0x2d: {  	_ =	swait.ge [sflag:s20], $0x2400  }
0x2e: {  	[sflag:s20] =	ssyncset.done $0x0  }
0x2f: {  	s16 =	simm.s32 $0xD8;
	[sflag:s20] =	ssyncadd.s32 $0xFFFFDC00  }
0x30: {  	[tilespmem:s14], [sflag:$0x1] =	stream.indirect.gather [hbm4b:s1+s13], $0x80, s16, s13, $0xb8;
	[tilespmem:$0x1FB00] =	vst v63  }
0x31: {  	_ =	swait.ge [sflag:s21], $0x2400  }
0x32: {  	[sflag:s21] =	ssyncset.done $0x0  }
0x33: {  	s10 =	simm.s32 $0x2810;
	[sflag:s21] =	ssyncadd.s32 $0xFFFFDC00  }
0x34: {  	[spmem:s3] =	stream.indirect.scatter.add.f32 [tilespmem:s17], [sflag:$0x6], $0x80, s10, s13, $0xb8;
	[tilespmem:$0x1FB00] =	vst v63  }
0x35: {  	_ =	swait.ge [sflag:s22], $0x2400  }
0x36: {  	[sflag:s22] =	ssyncset.done $0x0  }
0x37: {  	s16 =	simm.s32 $0x120;
	[sflag:s22] =	ssyncadd.s32 $0xFFFFDC00  }
0x38: {  	[tilespmem:s15], [sflag:$0x2] =	stream.indirect.gather [hbm4b:s1+s13], $0x80, s16, s13, $0xb8;
	[tilespmem:$0x1FB00] =	vst v63  }
0x39: {  	_ =	swait.ge [sflag:s23], $0x2400  }
0x3a: {  	[sflag:s23] =	ssyncset.done $0x0  }
0x3b: {  	s0 =	simm.s32 $0x360;
	s10 =	simm.s32 $0x168;
	[sflag:s23] =	ssyncadd.s32 $0xFFFFDC00  }
.LBB2_2:
0x3c: {  	[tilespmem:s17], [sflag:$0x3] =	stream.indirect.gather [hbm4b:s1+s13], $0x80, s10, s13, $0xb8;
	[tilespmem:$0x1FB00] =	vst v63  }
0x3d: {  	s10 =	smov.u32 s0  }
0x3e: {  	p0 =	sne.s32 s0, $0x9480;
	s0 =	sadd.s32 $0x360, s0;
	_ =	swait.ge [sflag:s18], $0x2400  }
0x3f: {  	s10 =	sshra.s32 s10, $0x2;
	[sflag:s18] =	ssyncset.done $0x0  }
0x40: {  	s16 =	sadd.s32 $0x2780, s10;
	[sflag:s18] =	ssyncadd.s32 $0xFFFFDC00  }
0x41: {  	[spmem:s3] =	stream.indirect.scatter.add.f32 [tilespmem:s14], [sflag:$0x4], $0x80, s16, s13, $0xb8;
	[tilespmem:$0x1FB00] =	vst v63  }
0x42: {  	_ =	swait.ge [sflag:s19], $0x2400  }
0x43: {  	[sflag:s19] =	ssyncset.done $0x0  }
0x44: {  	s16 =	sadd.s32 $0x27C8, s10;
	[sflag:s19] =	ssyncadd.s32 $0xFFFFDC00  }
0x45: {  	[spmem:s3] =	stream.indirect.scatter.add.f32 [tilespmem:s15], [sflag:$0x5], $0x80, s16, s13, $0xb8;
	[tilespmem:$0x1FB00] =	vst v63  }
0x46: {  	_ =	swait.ge [sflag:s20], $0x2400  }
0x47: {  	[sflag:s20] =	ssyncset.done $0x0  }
0x48: {  	s16 =	sadd.s32 $0xD8, s10;
	[sflag:s20] =	ssyncadd.s32 $0xFFFFDC00  }
0x49: {  	[tilespmem:s14], [sflag:$0x1] =	stream.indirect.gather [hbm4b:s1+s13], $0x80, s16, s13, $0xb8;
	[tilespmem:$0x1FB00] =	vst v63  }
0x4a: {  	_ =	swait.ge [sflag:s21], $0x2400  }
0x4b: {  	[sflag:s21] =	ssyncset.done $0x0  }
0x4c: {  	s16 =	sadd.s32 $0x2810, s10;
	[sflag:s21] =	ssyncadd.s32 $0xFFFFDC00  }
0x4d: {  	[spmem:s3] =	stream.indirect.scatter.add.f32 [tilespmem:s17], [sflag:$0x6], $0x80, s16, s13, $0xb8;
	[tilespmem:$0x1FB00] =	vst v63  }
0x4e: {  	_ =	swait.ge [sflag:s22], $0x2400  }
0x4f: {  	[sflag:s22] =	ssyncset.done $0x0  }
.Ltmp0:
0x50: {  	s16 =	sadd.s32 $0x120, s10;
	[sflag:s22] =	ssyncadd.s32 $0xFFFFDC00;
	(pc) =	sbr.rel @p0 .LBB2_2-.Ltmp0, $4  }
0x51: {  	[tilespmem:s15], [sflag:$0x2] =	stream.indirect.gather [hbm4b:s1+s13], $0x80, s16, s13, $0xb8;
	[tilespmem:$0x1FB00] =	vst v63  }
0x52: {  	_ =	swait.ge [sflag:s23], $0x2400  }
0x53: {  	[sflag:s23] =	ssyncset.done $0x0  }
0x54: {  	s10 =	sadd.s32 $0x168, s10;
	[sflag:s23] =	ssyncadd.s32 $0xFFFFDC00  }
0x55: {  	[tilespmem:s17], [sflag:$0x3] =	stream.indirect.gather [hbm4b:s1+s13], $0x80, s10, s13, $0xb8;
	[tilespmem:$0x1FB00] =	vst v63  }
0x56: {  	_ =	swait.ge [sflag:s18], $0x2400  }
0x57: {  	[sflag:s18] =	ssyncset.done $0x0  }
0x58: {  	[sflag:s18] =	ssyncadd.s32 $0xFFFFDC00  }
0x59: {  	[spmem:s3] =	stream.indirect.scatter.add.f32 [tilespmem:s14], [sflag:$0x4], $0x80, s25, s13, $0xb8;
	[tilespmem:$0x1FB00] =	vst v63  }
0x5a: {  	_ =	swait.ge [sflag:s19], $0x2400  }
0x5b: {  	[sflag:s19] =	ssyncset.done $0x0  }
0x5c: {  	[sflag:s19] =	ssyncadd.s32 $0xFFFFDC00  }
0x5d: {  	[spmem:s3] =	stream.indirect.scatter.add.f32 [tilespmem:s15], [sflag:$0x5], $0x80, s26, s13, $0xb8;
	[tilespmem:$0x1FB00] =	vst v63  }
0x5e: {  	_ =	swait.ge [sflag:s20], $0x2400  }
0x5f: {  	[sflag:s20] =	ssyncset.done $0x0  }
0x60: {  	[sflag:s20] =	ssyncadd.s32 $0xFFFFDC00  }
0x61: {  	[tilespmem:s14], [sflag:$0x1] =	stream.indirect.gather [hbm4b:s1+s13], $0x80, s4, s13, $0xb8;
	[tilespmem:$0x1FB00] =	vst v63  }
0x62: {  	_ =	swait.ge [sflag:s21], $0x2400  }
0x63: {  	[sflag:s21] =	ssyncset.done $0x0  }
0x64: {  	[sflag:s21] =	ssyncadd.s32 $0xFFFFDC00  }
0x65: {  	[spmem:s3] =	stream.indirect.scatter.add.f32 [tilespmem:s17], [sflag:$0x6], $0x80, s28, s13, $0xb8;
	[tilespmem:$0x1FB00] =	vst v63  }
0x66: {  	_ =	swait.ge [sflag:s22], $0x2400  }
0x67: {  	[sflag:s22] =	ssyncset.done $0x0  }
0x68: {  	[sflag:s22] =	ssyncadd.s32 $0xFFFFDC00  }
0x69: {  	[tilespmem:s15], [sflag:$0x2] =	stream.indirect.gather [hbm4b:s1+s13], $0x80, s4, s13, $0xb8;
	[tilespmem:$0x1FB00] =	vst v63  }
0x6a: {  	_ =	swait.ge [sflag:s23], $0x2400  }
0x6b: {  	[sflag:s23] =	ssyncset.done $0x0  }
0x6c: {  	[sflag:s23] =	ssyncadd.s32 $0xFFFFDC00  }
0x6d: {  	[tilespmem:s17], [sflag:$0x3] =	stream.indirect.gather [hbm4b:s1+s13], $0x80, s4, s13, $0xb8;
	[tilespmem:$0x1FB00] =	vst v63  }
0x6e: {  	_ =	swait.ge [sflag:s18], $0x2400  }
0x6f: {  	[sflag:s18] =	ssyncset.done $0x0  }
0x70: {  	[sflag:s18] =	ssyncadd.s32 $0xFFFFDC00  }
0x71: {  	_ =	swait.ge [sflag:s19], $0x2400  }
0x72: {  	[sflag:s19] =	ssyncset.done $0x0  }
0x73: {  	[sflag:s19] =	ssyncadd.s32 $0xFFFFDC00  }
0x74: {  	_ =	swait.ge [sflag:s21], $0x2400  }
0x75: {  	[sflag:s21] =	ssyncset.done $0x0  }
0x76: {  	[sflag:s21] =	ssyncadd.s32 $0xFFFFDC00  }
0x77: {  	[tilespmem:s14], [sflag:$0x1] =	stream.indirect.gather [hbm4b:s1+s29], $0x80, s30, s29, $0xb8;
	[tilespmem:$0x1FB00] =	vst v63  }
0x78: {  	_ =	swait.ge [sflag:s18], $0x2000  }
0x79: {  	[sflag:s18] =	ssyncset.done $0x0  }
0x7a: {  	[sflag:s18] =	ssyncadd.s32 $0xFFFFE000  }
0x7b: {  	[spmem:s3] =	stream.indirect.scatter.add.f32 [tilespmem:s14], [sflag:$0x7], $0x80, s31, s29, $0xb8;
	[tilespmem:$0x1FB00] =	vst v63  }
0x7c: {  	_ =	swait.ge [sflag:s9], $0x2000  }
0x7d: {  	s2 =	sadd.s32 $0x1, s2;
	[sflag:s9] =	ssyncset.done $0x0  }
0x7e: {  	p0 =	sne.s32 s2, s8;
	[sflag:s9] =	ssyncadd.s32 $0xFFFFE000  }
.Ltmp1:
0x7f: {  	[bflag:$0x0] =	sbarrier.arrive $0xFFFF;
	(pc) =	sbr.rel @p0 .LBB2_1-.Ltmp1, $4  }
0x80: {  	[hbm:s24], [sflag:s11] =	dma.local [spmem:s12], $0x2800  }
0x81: {  	_ =	swait.ge [sflag:s9], $0x2800  }
0x82: {  	[sflag:s9] =	ssyncset.done $0x0  }
0x83: {  	[sflag:s9] =	ssyncadd.s32 $0xFFFFD800  }
0x84: {  	_ =	sfence.sel $0x180000  }
0x85: {  	[bflag:$0x0] =	sbarrier.arrive $0xFFFF  }
0x86: {  	_ =	strace $0x9000004A  }
0x87: {  	s0 =	stileid.u32;
	[bflag:$0x2] =	sbarrier.arrive $0xFFFF  }
0x88: {  	p0 =	sne.s32 s0, $0x0;
	s0 =	rddreg [dreg:$0x3]  }
0x89: {  	s0 =	sadd.s32 @!p0 $0x100000, s0  }
0x8a: {  	[sflag:s0] =	ssyncadd.tile.s32 @!p0 $0x1;
	_ =	shalt  }
.Lfunc_end2:
_tile_overlayer_lowered:
.L_overlay_start_2:
0x8b: {  	(tag) =	ssettag $0x2  }
0x8c: {  	s0 =	rddreg [dreg:$0x0];
	s2 =	stileid.u32  }
0x8d: {  	s1 =	rddreg [dreg:$0x1];
	p0 =	sne.s32 s2, $0x0  }
0x8e: {  	s3 =	rddreg [dreg:$0x2];
	[bflag:$0x3] =	sbarrier.arrive $0xFFFF;
	s2 =	simm.s32 @!p0 $0x1C07  }
0x8f: {  	[timem:s3], [sflag:s2] =	dma.local @!p0 [hbm:s0], s1  }
0x90: {  	s0 =	simm.s32 @!p0 $0x7  }
0x91: {  	_ =	swait.ge @!p0 [sflag:s0], s1  }
0x92: {  	s1 =	ssub.s32 @!p0 $0x0, s1;
	[sflag:s0] =	ssyncset.done @!p0 $0x0  }
0x93: {  	[sflag:s0] =	ssyncadd.s32 @!p0 s1  }
0x94: {  	[bflag:$0x3] =	sbarrier.arrive $0xFFFF  }
0x95: {  	_ =	shalt  }

// kernel: kernel.14.cloned.1.call-start
scs
__scs_entry_jumppad:
0x0: {  	(pc) =	sbr.rel $0x88, $3  }
0x1: {  	(tag) =	ssettag $0x0;
	lr =	simm.s32 $0x1  }
0x2: {  	[smem:$0x3F9B] =	sst lr;
	_ =	strace $0xD0000000  }
0x3: {  	_ = 	snop  }
0x4: {  	_ = 	snop  }
0x5: {  	_ = 	snop  }
0x6: {  	_ = 	snop  }
0x7: {  	_ = 	snop  }
__scs_overlays_trampoline_lowered:
0x8: {  	[smem:$0x3FAA] =	sst s0  }
0x9: {  	[smem:$0x3FAB] =	sst s1  }
0xa: {  	[smem:$0x3FAC] =	sst s2  }
0xb: {  	[smem:$0x3FAD] =	sst s3  }
0xc: {  	[smem:$0x3FAE] =	sst s4  }
0xd: {  	[smem:$0x3FAF] =	sst s5  }
0xe: {  	[smem:$0x3FB0] =	sst s6  }
0xf: {  	[smem:$0x3FB1] =	sst s7  }
0x10: {  	[smem:$0x3FB2] =	sst s8  }
0x11: {  	[smem:$0x3FB3] =	sst s9;
	s0 =	simm.s32 @!p0 $0x0  }
0x12: {  	s1 =	sld [smem:$0x3F99];
	s0 =	simm.s32 @p0 $0x1  }
0x13: {  	[smem:$0x3FB4] =	sst s0;
	s0 =	simm.s32 @!p1 $0x0  }
0x14: {  	s2 =	sld [smem:$0x3F98];
	s0 =	simm.s32 @p1 $0x1  }
0x15: {  	[smem:$0x3FB5] =	sst s0;
	s0 =	simm.s32 @!p2 $0x0  }
0x16: {  	s3 =	sld [smem:$0x3FDB];
	s0 =	simm.s32 @p2 $0x1  }
0x17: {  	s4 =	simm.s32 $0x1BF5;
	[smem:$0x3FB7] =	sst s0  }
0x18: {  	s0 =	sld [smem:$0x3F9A];
	_ =	swait.ge [sflag:s4], $0x0  }
0x19: {  	s7 =	sld [smem:$0x3F9B]  }
0x1a: {  	s8 =	sadd.s32 $0xFFFFE003, lr  }
0x1b: {  	s9 =	sadd.s32 $0xFFFFFEF7, lr;
	s5 =	simm.s32 $0xFFFFFFFF;
	p2 =	slt.u32 s8, $0xFFFFF086  }
0x1c: {  	p1 =	slt.u32 s9, $0xF7A;
	s5 =	simm.s32 @!p2 $0x0  }
0x1d: {  	s5 =	simm.s32 @p1 $0x1;
	p0 =	seq.s32 s7, s2  }
0x1e: {  	s7 =	smul.u32 @!p0 $0xF7A, s2;
	p2 =	seq.s32 @!p0 s5, $0x0  }
0x1f: {  	s9 =	smul.u32 $0xF7A, s1;
	s8 =	simm.s32 @!p0 $0x1BF5;
	p2 =	por !p2, p0  }
0x20: {  	[sflag:s8] =	ssyncset.s32 @!p0 $0xFFFFF086;
	s6 =	sadd.s32 @!p0 s3, s7;
	s7 =	simm.s32 @!p0 $0x108  }
0x21: {  	s3 =	sadd.s32 s3, s9;
	s6 =	sadd.s32 @!p0 $0x88, s6;
	s7 =	simm.s32 @p2 $0x1082  }
0x22: {  	[simem:s7], [sflag:s8] =	dma.local @!p0 [hbm:s6], $0xF7A  }
0x23: {  	s9 =	sor.u32 $0xD0000000, s2;
	s6 =	simm.s32 $0x108;
	_ =	swait.ge @!p0 [sflag:s8], $0x0  }
0x24: {  	s3 =	sadd.s32 $0x88, s3;
	s6 =	simm.s32 @!p1 $0x1082;
	[sflag:s4] =	ssyncset.s32 $0xFFFFF086  }
0x25: {  	[simem:s6], [sflag:s4] =	dma.local [hbm:s3], $0xF7A  }
0x26: {  	[smem:$0x3F9B] =	sst s1;
	(tag) =	ssettag s2;
	_ =	strace s9  }
0x27: {  	s1 =	sld [smem:$0x3FAB]  }
0x28: {  	s2 =	sld [smem:$0x3FAC]  }
0x29: {  	s4 =	sld [smem:$0x3FAE]  }
0x2a: {  	p0 =	seq.s32 s5, $0x0;
	s5 =	sld [smem:$0x3FAF]  }
0x2b: {  	s6 =	sld [smem:$0x3FB0]  }
0x2c: {  	s7 =	sld [smem:$0x3FB1]  }
0x2d: {  	s3 =	simm.s32 $0x108;
	s8 =	sld [smem:$0x3FB2]  }
0x2e: {  	s3 =	simm.s32 @!p0 $0x1082;
	s9 =	sld [smem:$0x3FB3]  }
0x2f: {  	lr =	sadd.s32 s0, s3;
	s0 =	sld [smem:$0x3FAA]  }
0x30: {  	s3 =	sld [smem:$0x3FAD]  }
0x31: {  	[smem:$0x3FB6] =	sst s10  }
0x32: {  	s10 =	sld [smem:$0x3FB4];
	_ =	sdelay $0x3  }
0x33: {  	p0 =	seq.s32 s10, $0x1;
	s10 =	sld [smem:$0x3FB6];
	_ =	sdelay $0x3  }
0x34: {  	[smem:$0x3FB6] =	sst s10  }
0x35: {  	s10 =	sld [smem:$0x3FB5];
	_ =	sdelay $0x3  }
0x36: {  	p1 =	seq.s32 s10, $0x1;
	s10 =	sld [smem:$0x3FB6];
	_ =	sdelay $0x3  }
0x37: {  	[smem:$0x3FB6] =	sst s10  }
0x38: {  	s10 =	sld [smem:$0x3FB7]  }
0x39: {  	_ = 	snop;
	(pc) =	sbr.ind lr, $3  }
0x3a: {  	_ = 	snop  }
0x3b: {  	_ = 	snop  }
0x3c: {  	p2 =	seq.s32 s10, $0x1;
	s10 =	sld [smem:$0x3FB6]  }
0x3d: {  	_ =	shalt  }
0x3e: {  	_ =	shalt  }
0x3f: {  	_ =	shalt  }
0x40: {  	_ =	shalt  }
0x41: {  	_ =	shalt  }
0x42: {  	_ =	shalt  }
0x43: {  	_ =	shalt  }
0x44: {  	_ =	shalt  }
0x45: {  	_ =	shalt  }
0x46: {  	_ =	shalt  }
0x47: {  	_ =	shalt  }
0x48: {  	_ =	shalt  }
0x49: {  	_ =	shalt  }
0x4a: {  	_ =	shalt  }
0x4b: {  	_ =	shalt  }
0x4c: {  	_ =	shalt  }
0x4d: {  	_ =	shalt  }
0x4e: {  	_ =	shalt  }
0x4f: {  	_ =	shalt  }
0x50: {  	_ =	shalt  }
0x51: {  	_ =	shalt  }
0x52: {  	_ =	shalt  }
0x53: {  	_ =	shalt  }
0x54: {  	_ =	shalt  }
0x55: {  	_ =	shalt  }
0x56: {  	_ =	shalt  }
0x57: {  	_ =	shalt  }
0x58: {  	_ =	shalt  }
0x59: {  	_ =	shalt  }
0x5a: {  	_ =	shalt  }
0x5b: {  	_ =	shalt  }
0x5c: {  	_ =	shalt  }
0x5d: {  	_ =	shalt  }
0x5e: {  	_ =	shalt  }
0x5f: {  	_ =	shalt  }
0x60: {  	_ =	shalt  }
0x61: {  	_ =	shalt  }
0x62: {  	_ =	shalt  }
0x63: {  	_ =	shalt  }
0x64: {  	_ =	shalt  }
0x65: {  	_ =	shalt  }
0x66: {  	_ =	shalt  }
0x67: {  	_ =	shalt  }
0x68: {  	_ =	shalt  }
0x69: {  	_ =	shalt  }
0x6a: {  	_ =	shalt  }
0x6b: {  	_ =	shalt  }
0x6c: {  	_ =	shalt  }
0x6d: {  	_ =	shalt  }
0x6e: {  	_ =	shalt  }
0x6f: {  	_ =	shalt  }
0x70: {  	_ =	shalt  }
0x71: {  	_ =	shalt  }
0x72: {  	_ =	shalt  }
0x73: {  	_ =	shalt  }
0x74: {  	_ =	shalt  }
0x75: {  	_ =	shalt  }
0x76: {  	_ =	shalt  }
0x77: {  	_ =	shalt  }
0x78: {  	_ =	shalt  }
0x79: {  	_ =	shalt  }
0x7a: {  	_ =	shalt  }
0x7b: {  	_ =	shalt  }
0x7c: {  	_ =	shalt  }
0x7d: {  	_ =	shalt  }
0x7e: {  	_ =	shalt  }
0x7f: {  	_ =	shalt  }
0x80: {  	_ =	shalt  }
0x81: {  	_ =	shalt  }
0x82: {  	_ =	shalt  }
0x83: {  	_ =	shalt  }
0x84: {  	_ =	shalt  }
0x85: {  	_ =	shalt  }
0x86: {  	_ =	shalt  }
0x87: {  	_ =	shalt  }
.Lfunc_end0:
.L_simem_size_0:
called_computation.2_lowered:
.L_overlay_start_0:
0x88: {  	s2 =	sld [smem:$0x3FD9]  }
0x89: {  	s3 =	sld [smem:$0x3FFE];
	_ =	sdelay $0x1  }
0x8a: {  	s1 =	srdreg.scid  }
0x8b: {  	s0 =	sand.u32 $0x1, s1  }
0x8c: {  	s17 =	sshll.u32 s0, $0xA;
	s2 =	sadd.s32 s3, s2  }
0x8d: {  	s2 =	sadd.s32 s2, s17  }
0x8e: {  	[smem:$0x3FC2] =	sst s2  }
0x8f: {  	_ = 	snop  }
0x90: {  	s2 =	sld [smem:$0x3FD0];
	(tm) =	ssettm $0x1  }
0x91: {  	s18 =	sld [smem:$0x3FFB];
	_ =	sdelay $0x3  }
0x92: {  	_ =	strace s18  }
0x93: {  	s3 =	sld [smem:$0x3FFC];
	_ =	sdelay $0x3  }
0x94: {  	_ =	strace s3  }
0x95: {  	s3 =	sld [smem:$0x3FFD];
	_ =	sdelay $0x3  }
0x96: {  	_ =	strace s3  }
0x97: {  	_ =	strace $0x8FFFFFFF  }
0x98: {  	s19 =	sld [smem:$0x3FDB];
	_ =	sdelay $0x1  }
0x99: {  	s4 =	simm.s32 $_scs_section_size  }
0x9a: {  	s5 =	simm.s32 $_size__tile_overlayer_lowered;
	s6 =	simm.s32 $_tile_overlayer_lowered  }
0x9b: {  	s22 =	simm.s32 $0x1BFF;
	s21 =	sshll.u32 s6, $0x1;
	s3 =	sadd.s32 s4, s19  }
0x9c: {  	s7 =	simm.s32 $0x0;
	s20 =	sshll.u32 s5, $0x1;
	s5 =	sadd.s32 s21, s3  }
0x9d: {  	[timem:s7], [sflag:s22] =	dma.local [hbm:s5], s20  }
0x9e: {  	_ =	swait.ge [sflag:s22], s20  }
0x9f: {  	s4 =	ssub.s32 $0x0, s20;
	[sflag:s22] =	ssyncset.done $0x0  }
0xa0: {  	[sflag:s22] =	ssyncadd.s32 s4;
	_ =	sdelay $0x1  }
0xa1: {  	s23 =	simm.s32 $0x1B8B  }
0xa2: {  	_ =	swait.ge [sflag:s23], $0x1  }
0xa3: {  	[sflag:s23] =	ssyncset.done $0x0  }
0xa4: {  	s25 =	simm.s32 $0x1B8E;
	s24 =	sld [smem:$0x3FFE];
	[sflag:s23] =	ssyncadd.s32 $0xFFFFFFFF  }
0xa5: {  	s26 =	simm.s32 $execute0_lowered;
	[smem:$0x3FD2] =	sst s25  }
0xa6: {  	s5 =	sshll.u32 s26, $0x1;
	_ =	strace $0x8000004C;
	[dreg:$0x1] =	wrdreg $0xFFFFFFFF  }
0xa7: {  	s28 =	simm.s32 $_size_execute0_lowered;
	s3 =	sadd.s32 s3, s5;
	[dreg:$0x0] =	wrdreg $0x0  }
0xa8: {  	s5 =	sshll.u32 s28, $0x1;
	[dreg:$0x2] =	wrdreg s3  }
0xa9: {  	[dreg:$0x3] =	wrdreg s5  }
0xaa: {  	[dreg:$0x4] =	wrdreg $0xC0  }
0xab: {  	_ =	task [dreg:s7], $0x5FFFF  }
0xac: {  	[dreg:$0x1] =	wrdreg $0xFFFFFFFF  }
0xad: {  	[dreg:$0x0] =	wrdreg $0x60  }
0xae: {  	[dreg:$0x2] =	wrdreg s2  }
0xaf: {  	[dreg:$0x3] =	wrdreg s24  }
0xb0: {  	[dreg:$0x4] =	wrdreg $0xBB000  }
0xb1: {  	[dreg:$0x5] =	wrdreg $0x9  }
0xb2: {  	_ =	task.clear_ibuf [dreg:s7], $0x6FFFF;
	_ =	strace $0x9000004C  }
0xb3: {  	s29 =	simm.s32 $0x9;
	_ =	strace $0x8000004E  }
0xb4: {  	_ =	swait.ge [sflag:s29], $0x1  }
0xb5: {  	[sflag:s29] =	ssyncadd.s32 $0xFFFFFFFF  }
0xb6: {  	_ =	strace $0x9000004E  }
0xb7: {  	_ =	sfence  }
0xb8: {  	s30 =	sld [smem:$0x0];
	_ =	sdelay $0x2  }
0xb9: {  	s31 =	sshll.u32 s1, $0xD;
	s1 =	sshrl.u32 s1, $0x2  }
0xba: {  	s3 =	sand.u32 $0x4000, s31;
	s1 =	sadd.s32 s1, s30  }
0xbb: {  	s0 =	sor.u32 s3, s0;
	s1 =	sshll.u32 s1, $0x11  }
0xbc: {  	s0 =	sor.u32 s1, s0  }
0xbd: {  	s0 =	sadd.s32 $0x8F2B, s0  }
0xbe: {  	[sflag:s0] =	ssyncadd.remote.s32 $0x1  }
0xbf: {  	_ =	sfence.sel $0xFFFF  }
0xc0: {  	[dreg:$0x0] =	wrdreg $0xFFFFFFFF;
	(pc) =	sbr.abs _section_cstart, $3  }
0xc1: {  	[dreg:$0x1] =	wrdreg $0xFFFFFFFF  }
0xc2: {  	_ =	task.clear_ibuf [dreg:s7], $0x2FFFF;
	_ =	strace $0x9FFFFFFF  }
0xc3: {  	(tm) =	ssettm $0x7FFFFFFF  }
tec
execute0_lowered:
.L_overlay_start_1:
0x0: {  	(tag) =	ssettag $0x1  }
0x1: {  	s1 =	rddreg [dreg:$0x0]  }
0x2: {  	s0 =	srdreg.scid;
	s5 =	rddreg [dreg:$0x1]  }
0x3: {  	s12 =	stileid.u32;
	s3 =	rddreg [dreg:$0x2]  }
0x4: {  	s4 =	simm.s32 $0x0;
	s13 =	simm.s32 $0x48;
	s14 =	simm.s32 $0x4F00  }
0x5: {  	s15 =	simm.s32 $0x7300;
	s17 =	simm.s32 $0x9700;
	s18 =	simm.s32 $0x1  }
0x6: {  	s19 =	simm.s32 $0x2;
	s20 =	simm.s32 $0x4;
	s21 =	simm.s32 $0x3  }
0x7: {  	s22 =	simm.s32 $0x5;
	s23 =	simm.s32 $0x6;
	s28 =	simm.s32 $0x4E08  }
0x8: {  	s29 =	simm.s32 $0x40;
	s30 =	simm.s32 $0x26D0;
	s31 =	simm.s32 $0x4E50  }
0x9: {  	s0 =	sand.u32 $0x1, s0;
	s10 =	smul.u32 $0x2800, s12;
	[smem:$0x7FF] =	sst s4  }
0xa: {  	s7 =	smul.u32 $0x50000, s12;
	s26 =	sshll.u32 s12, $0x6;
	s2 =	sshll.u32 s0, $0x4  }
0xb: {  	s6 =	smul.u32 $0x28000, s0;
	_ =	strace $0x8000004D;
	s0 =	ssub.s32 $0x2, s0  }
0xc: {  	s2 =	sor.u32 s12, s2;
	s8 =	sadd.s32 s10, s5;
	s9 =	sshrl.u32 s0, $0x1  }
0xd: {  	s7 =	sshrl.u32 s7, $0x2;
	s2 =	smul.u32 $0x4E2, s2;
	s11 =	sadd.s32 s6, s5  }
0xe: {  	s0 =	ssub.s32 s0, s9;
	s25 =	sadd.s32 s7, s3;
	s7 =	sadd.s32 $0x15E00, s8  }
0xf: {  	s9 =	simm.s32 $0x7;
	s24 =	sadd.s32 $0x3DE00, s11;
	s8 =	smax.u32 s0, $0x1  }
0x10: {  	s11 =	sor.u32 $0x1C07, s26;
	s12 =	sshrl.u32 s25, $0x3;
	s25 =	simm.s32 $0x4D78  }
0x11: {  	s26 =	simm.s32 $0x4DC0;
	s2 =	sadd.s32 s2, s5;
	s24 =	sadd.s32 s10, s24  }
0x12: {  	s5 =	sadd.s32 $0x2200, s2;
	s6 =	sadd.s32 $0xC000, s2;
	s2 =	simm.s32 $0x0  }
.LBB2_1:
0x13: {  	[tilespmem:s4], [sflag:$0x7] =	stream.linear.gather [hbm4b:s5+s4], $0x2710, $0x38;
	[tilespmem:$0x1FB00] =	vst v63  }
0x14: {  	_ =	swait.ge [sflag:s9], $0x2710  }
0x15: {  	[sflag:s9] =	ssyncset.done $0x0  }
0x16: {  	s0 =	simm.s32 $0x2780;
	[sflag:s9] =	ssyncadd.s32 $0xFFFFD8F0  }
0x17: {  	[tilespmem:s0], [sflag:$0x7] =	stream.linear.gather [hbm4b:s6+s4], $0x2710, $0x38;
	[tilespmem:$0x1FB00] =	vst v63  }
0x18: {  	_ =	swait.ge [sflag:s9], $0x2710  }
0x19: {  	[sflag:s9] =	ssyncset.done $0x0  }
0x1a: {  	[sflag:s9] =	ssyncadd.s32 $0xFFFFD8F0  }
0x1b: {  	[spmem:s12], [sflag:s11] =	dma.local [hbm:s7], $0x2800  }
0x1c: {  	_ =	swait.ge [sflag:s9], $0x2800  }
0x1d: {  	[sflag:s9] =	ssyncset.done $0x0  }
0x1e: {  	[sflag:s9] =	ssyncadd.s32 $0xFFFFD800  }
0x1f: {  	[bflag:$0x0] =	sbarrier.arrive $0xFFFF  }
0x20: {  	[tilespmem:s14], [sflag:$0x1] =	stream.indirect.gather [hbm4b:s1+s13], $0x80, s4, s13, $0xb8;
	[tilespmem:$0x1FB00] =	vst v63  }
0x21: {  	_ = 	snop  }
0x22: {  	[tilespmem:s15], [sflag:$0x2] =	stream.indirect.gather [hbm4b:s1+s13], $0x80, s13, s13, $0xb8;
	[tilespmem:$0x1FB00] =	vst v63  }
0x23: {  	s10 =	simm.s32 $0x90  }
0x24: {  	[tilespmem:s17], [sflag:$0x3] =	stream.indirect.gather [hbm4b:s1+s13], $0x80, s10, s13, $0xb8;
	[tilespmem:$0x1FB00] =	vst v63  }
0x25: {  	_ =	swait.ge [sflag:s18], $0x2400  }
0x26: {  	[sflag:s18] =	ssyncset.done $0x0  }
0x27: {  	s16 =	simm.s32 $0x2780;
	[sflag:s18] =	ssyncadd.s32 $0xFFFFDC00  }
0x28: {  	[spmem:s3] =	stream.indirect.scatter.add.f32 [tilespmem:s14], [sflag:$0x4], $0x80, s16, s13, $0xb8;
	[tilespmem:$0x1FB00] =	vst v63  }
0x29: {  	_ =	swait.ge [sflag:s19], $0x2400  }
0x2a: {  	[sflag:s19] =	ssyncset.done $0x0  }
0x2b: {  	s10 =	simm.s32 $0x27C8;
	[sflag:s19] =	ssyncadd.s32 $0xFFFFDC00  }
0x2c: {  	[spmem:s3] =	stream.indirect.scatter.add.f32 [tilespmem:s15], [sflag:$0x5], $0x80, s10, s13, $0xb8;
	[tilespmem:$0x1FB00] =	vst v63  }
0x2d: {  	_ =	swait.ge [sflag:s20], $0x2400  }
0x2e: {  	[sflag:s20] =	ssyncset.done $0x0  }
0x2f: {  	s16 =	simm.s32 $0xD8;
	[sflag:s20] =	ssyncadd.s32 $0xFFFFDC00  }
0x30: {  	[tilespmem:s14], [sflag:$0x1] =	stream.indirect.gather [hbm4b:s1+s13], $0x80, s16, s13, $0xb8;
	[tilespmem:$0x1FB00] =	vst v63  }
0x31: {  	_ =	swait.ge [sflag:s21], $0x2400  }
0x32: {  	[sflag:s21] =	ssyncset.done $0x0  }
0x33: {  	s10 =	simm.s32 $0x2810;
	[sflag:s21] =	ssyncadd.s32 $0xFFFFDC00  }
0x34: {  	[spmem:s3] =	stream.indirect.scatter.add.f32 [tilespmem:s17], [sflag:$0x6], $0x80, s10, s13, $0xb8;
	[tilespmem:$0x1FB00] =	vst v63  }
0x35: {  	_ =	swait.ge [sflag:s22], $0x2400  }
0x36: {  	[sflag:s22] =	ssyncset.done $0x0  }
0x37: {  	s16 =	simm.s32 $0x120;
	[sflag:s22] =	ssyncadd.s32 $0xFFFFDC00  }
0x38: {  	[tilespmem:s15], [sflag:$0x2] =	stream.indirect.gather [hbm4b:s1+s13], $0x80, s16, s13, $0xb8;
	[tilespmem:$0x1FB00] =	vst v63  }
0x39: {  	_ =	swait.ge [sflag:s23], $0x2400  }
0x3a: {  	[sflag:s23] =	ssyncset.done $0x0  }
0x3b: {  	s0 =	simm.s32 $0x360;
	s10 =	simm.s32 $0x168;
	[sflag:s23] =	ssyncadd.s32 $0xFFFFDC00  }
.LBB2_2:
0x3c: {  	[tilespmem:s17], [sflag:$0x3] =	stream.indirect.gather [hbm4b:s1+s13], $0x80, s10, s13, $0xb8;
	[tilespmem:$0x1FB00] =	vst v63  }
0x3d: {  	s10 =	smov.u32 s0  }
0x3e: {  	p0 =	sne.s32 s0, $0x9480;
	s0 =	sadd.s32 $0x360, s0;
	_ =	swait.ge [sflag:s18], $0x2400  }
0x3f: {  	s10 =	sshra.s32 s10, $0x2;
	[sflag:s18] =	ssyncset.done $0x0  }
0x40: {  	s16 =	sadd.s32 $0x2780, s10;
	[sflag:s18] =	ssyncadd.s32 $0xFFFFDC00  }
0x41: {  	[spmem:s3] =	stream.indirect.scatter.add.f32 [tilespmem:s14], [sflag:$0x4], $0x80, s16, s13, $0xb8;
	[tilespmem:$0x1FB00] =	vst v63  }
0x42: {  	_ =	swait.ge [sflag:s19], $0x2400  }
0x43: {  	[sflag:s19] =	ssyncset.done $0x0  }
0x44: {  	s16 =	sadd.s32 $0x27C8, s10;
	[sflag:s19] =	ssyncadd.s32 $0xFFFFDC00  }
0x45: {  	[spmem:s3] =	stream.indirect.scatter.add.f32 [tilespmem:s15], [sflag:$0x5], $0x80, s16, s13, $0xb8;
	[tilespmem:$0x1FB00] =	vst v63  }
0x46: {  	_ =	swait.ge [sflag:s20], $0x2400  }
0x47: {  	[sflag:s20] =	ssyncset.done $0x0  }
0x48: {  	s16 =	sadd.s32 $0xD8, s10;
	[sflag:s20] =	ssyncadd.s32 $0xFFFFDC00  }
0x49: {  	[tilespmem:s14], [sflag:$0x1] =	stream.indirect.gather [hbm4b:s1+s13], $0x80, s16, s13, $0xb8;
	[tilespmem:$0x1FB00] =	vst v63  }
0x4a: {  	_ =	swait.ge [sflag:s21], $0x2400  }
0x4b: {  	[sflag:s21] =	ssyncset.done $0x0  }
0x4c: {  	s16 =	sadd.s32 $0x2810, s10;
	[sflag:s21] =	ssyncadd.s32 $0xFFFFDC00  }
0x4d: {  	[spmem:s3] =	stream.indirect.scatter.add.f32 [tilespmem:s17], [sflag:$0x6], $0x80, s16, s13, $0xb8;
	[tilespmem:$0x1FB00] =	vst v63  }
0x4e: {  	_ =	swait.ge [sflag:s22], $0x2400  }
0x4f: {  	[sflag:s22] =	ssyncset.done $0x0  }
.Ltmp0:
0x50: {  	s16 =	sadd.s32 $0x120, s10;
	[sflag:s22] =	ssyncadd.s32 $0xFFFFDC00;
	(pc) =	sbr.rel @p0 .LBB2_2-.Ltmp0, $4  }
0x51: {  	[tilespmem:s15], [sflag:$0x2] =	stream.indirect.gather [hbm4b:s1+s13], $0x80, s16, s13, $0xb8;
	[tilespmem:$0x1FB00] =	vst v63  }
0x52: {  	_ =	swait.ge [sflag:s23], $0x2400  }
0x53: {  	[sflag:s23] =	ssyncset.done $0x0  }
0x54: {  	s10 =	sadd.s32 $0x168, s10;
	[sflag:s23] =	ssyncadd.s32 $0xFFFFDC00  }
0x55: {  	[tilespmem:s17], [sflag:$0x3] =	stream.indirect.gather [hbm4b:s1+s13], $0x80, s10, s13, $0xb8;
	[tilespmem:$0x1FB00] =	vst v63  }
0x56: {  	_ =	swait.ge [sflag:s18], $0x2400  }
0x57: {  	[sflag:s18] =	ssyncset.done $0x0  }
0x58: {  	[sflag:s18] =	ssyncadd.s32 $0xFFFFDC00  }
0x59: {  	[spmem:s3] =	stream.indirect.scatter.add.f32 [tilespmem:s14], [sflag:$0x4], $0x80, s25, s13, $0xb8;
	[tilespmem:$0x1FB00] =	vst v63  }
0x5a: {  	_ =	swait.ge [sflag:s19], $0x2400  }
0x5b: {  	[sflag:s19] =	ssyncset.done $0x0  }
0x5c: {  	[sflag:s19] =	ssyncadd.s32 $0xFFFFDC00  }
0x5d: {  	[spmem:s3] =	stream.indirect.scatter.add.f32 [tilespmem:s15], [sflag:$0x5], $0x80, s26, s13, $0xb8;
	[tilespmem:$0x1FB00] =	vst v63  }
0x5e: {  	_ =	swait.ge [sflag:s20], $0x2400  }
0x5f: {  	[sflag:s20] =	ssyncset.done $0x0  }
0x60: {  	[sflag:s20] =	ssyncadd.s32 $0xFFFFDC00  }
0x61: {  	[tilespmem:s14], [sflag:$0x1] =	stream.indirect.gather [hbm4b:s1+s13], $0x80, s4, s13, $0xb8;
	[tilespmem:$0x1FB00] =	vst v63  }
0x62: {  	_ =	swait.ge [sflag:s21], $0x2400  }
0x63: {  	[sflag:s21] =	ssyncset.done $0x0  }
0x64: {  	[sflag:s21] =	ssyncadd.s32 $0xFFFFDC00  }
0x65: {  	[spmem:s3] =	stream.indirect.scatter.add.f32 [tilespmem:s17], [sflag:$0x6], $0x80, s28, s13, $0xb8;
	[tilespmem:$0x1FB00] =	vst v63  }
0x66: {  	_ =	swait.ge [sflag:s22], $0x2400  }
0x67: {  	[sflag:s22] =	ssyncset.done $0x0  }
0x68: {  	[sflag:s22] =	ssyncadd.s32 $0xFFFFDC00  }
0x69: {  	[tilespmem:s15], [sflag:$0x2] =	stream.indirect.gather [hbm4b:s1+s13], $0x80, s4, s13, $0xb8;
	[tilespmem:$0x1FB00] =	vst v63  }
0x6a: {  	_ =	swait.ge [sflag:s23], $0x2400  }
0x6b: {  	[sflag:s23] =	ssyncset.done $0x0  }
0x6c: {  	[sflag:s23] =	ssyncadd.s32 $0xFFFFDC00  }
0x6d: {  	[tilespmem:s17], [sflag:$0x3] =	stream.indirect.gather [hbm4b:s1+s13], $0x80, s4, s13, $0xb8;
	[tilespmem:$0x1FB00] =	vst v63  }
0x6e: {  	_ =	swait.ge [sflag:s18], $0x2400  }
0x6f: {  	[sflag:s18] =	ssyncset.done $0x0  }
0x70: {  	[sflag:s18] =	ssyncadd.s32 $0xFFFFDC00  }
0x71: {  	_ =	swait.ge [sflag:s19], $0x2400  }
0x72: {  	[sflag:s19] =	ssyncset.done $0x0  }
0x73: {  	[sflag:s19] =	ssyncadd.s32 $0xFFFFDC00  }
0x74: {  	_ =	swait.ge [sflag:s21], $0x2400  }
0x75: {  	[sflag:s21] =	ssyncset.done $0x0  }
0x76: {  	[sflag:s21] =	ssyncadd.s32 $0xFFFFDC00  }
0x77: {  	[tilespmem:s14], [sflag:$0x1] =	stream.indirect.gather [hbm4b:s1+s29], $0x80, s30, s29, $0xb8;
	[tilespmem:$0x1FB00] =	vst v63  }
0x78: {  	_ =	swait.ge [sflag:s18], $0x2000  }
0x79: {  	[sflag:s18] =	ssyncset.done $0x0  }
0x7a: {  	[sflag:s18] =	ssyncadd.s32 $0xFFFFE000  }
0x7b: {  	[spmem:s3] =	stream.indirect.scatter.add.f32 [tilespmem:s14], [sflag:$0x7], $0x80, s31, s29, $0xb8;
	[tilespmem:$0x1FB00] =	vst v63  }
0x7c: {  	_ =	swait.ge [sflag:s9], $0x2000  }
0x7d: {  	s2 =	sadd.s32 $0x1, s2;
	[sflag:s9] =	ssyncset.done $0x0  }
0x7e: {  	p0 =	sne.s32 s2, s8;
	[sflag:s9] =	ssyncadd.s32 $0xFFFFE000  }
.Ltmp1:
0x7f: {  	[bflag:$0x0] =	sbarrier.arrive $0xFFFF;
	(pc) =	sbr.rel @p0 .LBB2_1-.Ltmp1, $4  }
0x80: {  	[hbm:s24], [sflag:s11] =	dma.local [spmem:s12], $0x2800  }
0x81: {  	_ =	swait.ge [sflag:s9], $0x2800  }
0x82: {  	[sflag:s9] =	ssyncset.done $0x0  }
0x83: {  	[sflag:s9] =	ssyncadd.s32 $0xFFFFD800  }
0x84: {  	_ =	sfence.sel $0x180000  }
0x85: {  	[bflag:$0x0] =	sbarrier.arrive $0xFFFF  }
0x86: {  	_ =	strace $0x9000004D  }
0x87: {  	s0 =	stileid.u32;
	[bflag:$0x2] =	sbarrier.arrive $0xFFFF  }
0x88: {  	p0 =	sne.s32 s0, $0x0;
	s0 =	rddreg [dreg:$0x3]  }
0x89: {  	s0 =	sadd.s32 @!p0 $0x100000, s0  }
0x8a: {  	[sflag:s0] =	ssyncadd.tile.s32 @!p0 $0x1;
	_ =	shalt  }
.Lfunc_end2:
_tile_overlayer_lowered:
.L_overlay_start_2:
0x8b: {  	(tag) =	ssettag $0x2  }
0x8c: {  	s0 =	rddreg [dreg:$0x0];
	s2 =	stileid.u32  }
0x8d: {  	s1 =	rddreg [dreg:$0x1];
	p0 =	sne.s32 s2, $0x0  }
0x8e: {  	s3 =	rddreg [dreg:$0x2];
	[bflag:$0x3] =	sbarrier.arrive $0xFFFF;
	s2 =	simm.s32 @!p0 $0x1C07  }
0x8f: {  	[timem:s3], [sflag:s2] =	dma.local @!p0 [hbm:s0], s1  }
0x90: {  	s0 =	simm.s32 @!p0 $0x7  }
0x91: {  	_ =	swait.ge @!p0 [sflag:s0], s1  }
0x92: {  	s1 =	ssub.s32 @!p0 $0x0, s1;
	[sflag:s0] =	ssyncset.done @!p0 $0x0  }
0x93: {  	[sflag:s0] =	ssyncadd.s32 @!p0 s1  }
0x94: {  	[bflag:$0x3] =	sbarrier.arrive $0xFFFF  }
0x95: {  	_ =	shalt  }

// kernel: kernel.8.cloned.1.call-start
scs
__scs_entry_jumppad:
0x0: {  	(pc) =	sbr.rel $0x88, $3  }
0x1: {  	(tag) =	ssettag $0x0;
	lr =	simm.s32 $0x1  }
0x2: {  	[smem:$0x3F9B] =	sst lr;
	_ =	strace $0xD0000000  }
0x3: {  	_ = 	snop  }
0x4: {  	_ = 	snop  }
0x5: {  	_ = 	snop  }
0x6: {  	_ = 	snop  }
0x7: {  	_ = 	snop  }
__scs_overlays_trampoline_lowered:
0x8: {  	[smem:$0x3FAA] =	sst s0  }
0x9: {  	[smem:$0x3FAB] =	sst s1  }
0xa: {  	[smem:$0x3FAC] =	sst s2  }
0xb: {  	[smem:$0x3FAD] =	sst s3  }
0xc: {  	[smem:$0x3FAE] =	sst s4  }
0xd: {  	[smem:$0x3FAF] =	sst s5  }
0xe: {  	[smem:$0x3FB0] =	sst s6  }
0xf: {  	[smem:$0x3FB1] =	sst s7  }
0x10: {  	[smem:$0x3FB2] =	sst s8  }
0x11: {  	[smem:$0x3FB3] =	sst s9;
	s0 =	simm.s32 @!p0 $0x0  }
0x12: {  	s1 =	sld [smem:$0x3F99];
	s0 =	simm.s32 @p0 $0x1  }
0x13: {  	[smem:$0x3FB4] =	sst s0;
	s0 =	simm.s32 @!p1 $0x0  }
0x14: {  	s2 =	sld [smem:$0x3F98];
	s0 =	simm.s32 @p1 $0x1  }
0x15: {  	[smem:$0x3FB5] =	sst s0;
	s0 =	simm.s32 @!p2 $0x0  }
0x16: {  	s3 =	sld [smem:$0x3FDB];
	s0 =	simm.s32 @p2 $0x1  }
0x17: {  	s4 =	simm.s32 $0x1BF5;
	[smem:$0x3FB7] =	sst s0  }
0x18: {  	s0 =	sld [smem:$0x3F9A];
	_ =	swait.ge [sflag:s4], $0x0  }
0x19: {  	s7 =	sld [smem:$0x3F9B]  }
0x1a: {  	s8 =	sadd.s32 $0xFFFFE003, lr  }
0x1b: {  	s9 =	sadd.s32 $0xFFFFFEF7, lr;
	s5 =	simm.s32 $0xFFFFFFFF;
	p2 =	slt.u32 s8, $0xFFFFF086  }
0x1c: {  	p1 =	slt.u32 s9, $0xF7A;
	s5 =	simm.s32 @!p2 $0x0  }
0x1d: {  	s5 =	simm.s32 @p1 $0x1;
	p0 =	seq.s32 s7, s2  }
0x1e: {  	s7 =	smul.u32 @!p0 $0xF7A, s2;
	p2 =	seq.s32 @!p0 s5, $0x0  }
0x1f: {  	s9 =	smul.u32 $0xF7A, s1;
	s8 =	simm.s32 @!p0 $0x1BF5;
	p2 =	por !p2, p0  }
0x20: {  	[sflag:s8] =	ssyncset.s32 @!p0 $0xFFFFF086;
	s6 =	sadd.s32 @!p0 s3, s7;
	s7 =	simm.s32 @!p0 $0x108  }
0x21: {  	s3 =	sadd.s32 s3, s9;
	s6 =	sadd.s32 @!p0 $0x88, s6;
	s7 =	simm.s32 @p2 $0x1082  }
0x22: {  	[simem:s7], [sflag:s8] =	dma.local @!p0 [hbm:s6], $0xF7A  }
0x23: {  	s9 =	sor.u32 $0xD0000000, s2;
	s6 =	simm.s32 $0x108;
	_ =	swait.ge @!p0 [sflag:s8], $0x0  }
0x24: {  	s3 =	sadd.s32 $0x88, s3;
	s6 =	simm.s32 @!p1 $0x1082;
	[sflag:s4] =	ssyncset.s32 $0xFFFFF086  }
0x25: {  	[simem:s6], [sflag:s4] =	dma.local [hbm:s3], $0xF7A  }
0x26: {  	[smem:$0x3F9B] =	sst s1;
	(tag) =	ssettag s2;
	_ =	strace s9  }
0x27: {  	s1 =	sld [smem:$0x3FAB]  }
0x28: {  	s2 =	sld [smem:$0x3FAC]  }
0x29: {  	s4 =	sld [smem:$0x3FAE]  }
0x2a: {  	p0 =	seq.s32 s5, $0x0;
	s5 =	sld [smem:$0x3FAF]  }
0x2b: {  	s6 =	sld [smem:$0x3FB0]  }
0x2c: {  	s7 =	sld [smem:$0x3FB1]  }
0x2d: {  	s3 =	simm.s32 $0x108;
	s8 =	sld [smem:$0x3FB2]  }
0x2e: {  	s3 =	simm.s32 @!p0 $0x1082;
	s9 =	sld [smem:$0x3FB3]  }
0x2f: {  	lr =	sadd.s32 s0, s3;
	s0 =	sld [smem:$0x3FAA]  }
0x30: {  	s3 =	sld [smem:$0x3FAD]  }
0x31: {  	[smem:$0x3FB6] =	sst s10  }
0x32: {  	s10 =	sld [smem:$0x3FB4];
	_ =	sdelay $0x3  }
0x33: {  	p0 =	seq.s32 s10, $0x1;
	s10 =	sld [smem:$0x3FB6];
	_ =	sdelay $0x3  }
0x34: {  	[smem:$0x3FB6] =	sst s10  }
0x35: {  	s10 =	sld [smem:$0x3FB5];
	_ =	sdelay $0x3  }
0x36: {  	p1 =	seq.s32 s10, $0x1;
	s10 =	sld [smem:$0x3FB6];
	_ =	sdelay $0x3  }
0x37: {  	[smem:$0x3FB6] =	sst s10  }
0x38: {  	s10 =	sld [smem:$0x3FB7]  }
0x39: {  	_ = 	snop;
	(pc) =	sbr.ind lr, $3  }
0x3a: {  	_ = 	snop  }
0x3b: {  	_ = 	snop  }
0x3c: {  	p2 =	seq.s32 s10, $0x1;
	s10 =	sld [smem:$0x3FB6]  }
0x3d: {  	_ =	shalt  }
0x3e: {  	_ =	shalt  }
0x3f: {  	_ =	shalt  }
0x40: {  	_ =	shalt  }
0x41: {  	_ =	shalt  }
0x42: {  	_ =	shalt  }
0x43: {  	_ =	shalt  }
0x44: {  	_ =	shalt  }
0x45: {  	_ =	shalt  }
0x46: {  	_ =	shalt  }
0x47: {  	_ =	shalt  }
0x48: {  	_ =	shalt  }
0x49: {  	_ =	shalt  }
0x4a: {  	_ =	shalt  }
0x4b: {  	_ =	shalt  }
0x4c: {  	_ =	shalt  }
0x4d: {  	_ =	shalt  }
0x4e: {  	_ =	shalt  }
0x4f: {  	_ =	shalt  }
0x50: {  	_ =	shalt  }
0x51: {  	_ =	shalt  }
0x52: {  	_ =	shalt  }
0x53: {  	_ =	shalt  }
0x54: {  	_ =	shalt  }
0x55: {  	_ =	shalt  }
0x56: {  	_ =	shalt  }
0x57: {  	_ =	shalt  }
0x58: {  	_ =	shalt  }
0x59: {  	_ =	shalt  }
0x5a: {  	_ =	shalt  }
0x5b: {  	_ =	shalt  }
0x5c: {  	_ =	shalt  }
0x5d: {  	_ =	shalt  }
0x5e: {  	_ =	shalt  }
0x5f: {  	_ =	shalt  }
0x60: {  	_ =	shalt  }
0x61: {  	_ =	shalt  }
0x62: {  	_ =	shalt  }
0x63: {  	_ =	shalt  }
0x64: {  	_ =	shalt  }
0x65: {  	_ =	shalt  }
0x66: {  	_ =	shalt  }
0x67: {  	_ =	shalt  }
0x68: {  	_ =	shalt  }
0x69: {  	_ =	shalt  }
0x6a: {  	_ =	shalt  }
0x6b: {  	_ =	shalt  }
0x6c: {  	_ =	shalt  }
0x6d: {  	_ =	shalt  }
0x6e: {  	_ =	shalt  }
0x6f: {  	_ =	shalt  }
0x70: {  	_ =	shalt  }
0x71: {  	_ =	shalt  }
0x72: {  	_ =	shalt  }
0x73: {  	_ =	shalt  }
0x74: {  	_ =	shalt  }
0x75: {  	_ =	shalt  }
0x76: {  	_ =	shalt  }
0x77: {  	_ =	shalt  }
0x78: {  	_ =	shalt  }
0x79: {  	_ =	shalt  }
0x7a: {  	_ =	shalt  }
0x7b: {  	_ =	shalt  }
0x7c: {  	_ =	shalt  }
0x7d: {  	_ =	shalt  }
0x7e: {  	_ =	shalt  }
0x7f: {  	_ =	shalt  }
0x80: {  	_ =	shalt  }
0x81: {  	_ =	shalt  }
0x82: {  	_ =	shalt  }
0x83: {  	_ =	shalt  }
0x84: {  	_ =	shalt  }
0x85: {  	_ =	shalt  }
0x86: {  	_ =	shalt  }
0x87: {  	_ =	shalt  }
.Lfunc_end0:
.L_simem_size_0:
called_computation_lowered:
.L_overlay_start_0:
0x88: {  	s2 =	sld [smem:$0x3FD9]  }
0x89: {  	s3 =	sld [smem:$0x3FFE];
	_ =	sdelay $0x1  }
0x8a: {  	s1 =	srdreg.scid  }
0x8b: {  	s0 =	sand.u32 $0x1, s1  }
0x8c: {  	s17 =	sshll.u32 s0, $0xA;
	s2 =	sadd.s32 s3, s2  }
0x8d: {  	s2 =	sadd.s32 s2, s17  }
0x8e: {  	[smem:$0x3FC2] =	sst s2  }
0x8f: {  	_ = 	snop  }
0x90: {  	s2 =	sld [smem:$0x3FD0];
	(tm) =	ssettm $0x1  }
0x91: {  	s18 =	sld [smem:$0x3FFB];
	_ =	sdelay $0x3  }
0x92: {  	_ =	strace s18  }
0x93: {  	s3 =	sld [smem:$0x3FFC];
	_ =	sdelay $0x3  }
0x94: {  	_ =	strace s3  }
0x95: {  	s3 =	sld [smem:$0x3FFD];
	_ =	sdelay $0x3  }
0x96: {  	_ =	strace s3  }
0x97: {  	_ =	strace $0x8FFFFFFF  }
0x98: {  	s19 =	sld [smem:$0x3FDB];
	_ =	sdelay $0x1  }
0x99: {  	s4 =	simm.s32 $_scs_section_size  }
0x9a: {  	s5 =	simm.s32 $_size__tile_overlayer_lowered;
	s6 =	simm.s32 $_tile_overlayer_lowered  }
0x9b: {  	s22 =	simm.s32 $0x1BFF;
	s21 =	sshll.u32 s6, $0x1;
	s3 =	sadd.s32 s4, s19  }
0x9c: {  	s7 =	simm.s32 $0x0;
	s20 =	sshll.u32 s5, $0x1;
	s5 =	sadd.s32 s21, s3  }
0x9d: {  	[timem:s7], [sflag:s22] =	dma.local [hbm:s5], s20  }
0x9e: {  	_ =	swait.ge [sflag:s22], s20  }
0x9f: {  	s4 =	ssub.s32 $0x0, s20;
	[sflag:s22] =	ssyncset.done $0x0  }
0xa0: {  	[sflag:s22] =	ssyncadd.s32 s4;
	_ =	sdelay $0x1  }
0xa1: {  	s23 =	simm.s32 $0x1B8B  }
0xa2: {  	_ =	swait.ge [sflag:s23], $0x1  }
0xa3: {  	[sflag:s23] =	ssyncset.done $0x0  }
0xa4: {  	s25 =	simm.s32 $0x1B8E;
	s24 =	sld [smem:$0x3FFE];
	[sflag:s23] =	ssyncadd.s32 $0xFFFFFFFF  }
0xa5: {  	s26 =	simm.s32 $execute0_lowered;
	[smem:$0x3FD2] =	sst s25  }
0xa6: {  	s5 =	sshll.u32 s26, $0x1;
	_ =	strace $0x80000046;
	[dreg:$0x1] =	wrdreg $0xFFFFFFFF  }
0xa7: {  	s28 =	simm.s32 $_size_execute0_lowered;
	s3 =	sadd.s32 s3, s5;
	[dreg:$0x0] =	wrdreg $0x0  }
0xa8: {  	s5 =	sshll.u32 s28, $0x1;
	[dreg:$0x2] =	wrdreg s3  }
0xa9: {  	[dreg:$0x3] =	wrdreg s5  }
0xaa: {  	[dreg:$0x4] =	wrdreg $0xC0  }
0xab: {  	_ =	task [dreg:s7], $0x5FFFF  }
0xac: {  	[dreg:$0x1] =	wrdreg $0xFFFFFFFF  }
0xad: {  	[dreg:$0x0] =	wrdreg $0x60  }
0xae: {  	[dreg:$0x2] =	wrdreg s24  }
0xaf: {  	[dreg:$0x3] =	wrdreg s2  }
0xb0: {  	[dreg:$0x4] =	wrdreg $0x9  }
0xb1: {  	_ =	task.clear_ibuf [dreg:s7], $0x5FFFF;
	_ =	strace $0x90000046  }
0xb2: {  	s29 =	simm.s32 $0x9;
	_ =	strace $0x80000048  }
0xb3: {  	_ =	swait.ge [sflag:s29], $0x1  }
0xb4: {  	[sflag:s29] =	ssyncadd.s32 $0xFFFFFFFF  }
0xb5: {  	_ =	strace $0x90000048  }
0xb6: {  	_ =	sfence  }
0xb7: {  	s30 =	sld [smem:$0x0];
	_ =	sdelay $0x2  }
0xb8: {  	s31 =	sshll.u32 s1, $0xD;
	s1 =	sshrl.u32 s1, $0x2  }
0xb9: {  	s3 =	sand.u32 $0x4000, s31;
	s1 =	sadd.s32 s1, s30  }
0xba: {  	s0 =	sor.u32 s3, s0;
	s1 =	sshll.u32 s1, $0x11  }
0xbb: {  	s0 =	sor.u32 s1, s0  }
0xbc: {  	s0 =	sadd.s32 $0x8F2B, s0  }
0xbd: {  	[sflag:s0] =	ssyncadd.remote.s32 $0x1  }
0xbe: {  	_ =	sfence.sel $0xFFFF  }
0xbf: {  	[dreg:$0x0] =	wrdreg $0xFFFFFFFF;
	(pc) =	sbr.abs _section_cstart, $3  }
0xc0: {  	[dreg:$0x1] =	wrdreg $0xFFFFFFFF  }
0xc1: {  	_ =	task.clear_ibuf [dreg:s7], $0x2FFFF;
	_ =	strace $0x9FFFFFFF  }
0xc2: {  	(tm) =	ssettm $0x7FFFFFFF  }
0xc3: {  	_ =	shalt  }
tec
execute0_lowered:
.L_overlay_start_1:
0x0: {  	(tag) =	ssettag $0x1  }
0x1: {  	s0 =	srdreg.scid  }
0x2: {  	s4 =	rddreg [dreg:$0x0];
	s3 =	sand.u32 $0x1, s0  }
0x3: {  	s5 =	rddreg [dreg:$0x1];
	s0 =	stileid.u32;
	s1 =	sshll.u32 s3, $0x4  }
0x4: {  	s2 =	simm.s32 $0x0;
	s9 =	simm.s32 $0x400;
	s6 =	sor.u32 s0, s1  }
0x5: {  	s10 =	simm.s32 $0x0;
	[smem:$0x7FF] =	sst s2;
	s7 =	sshrl.u32 s6, $0x3  }
0x6: {  	s8 =	sshll.u32 s0, $0x7;
	s3 =	ssub.s32 $0x2, s3;
	s7 =	smul.u32 $0x13C00, s7  }
0x7: {  	s1 =	rddreg [dreg:$0x2];
	s8 =	sand.u32 $0x380, s8;
	s6 =	smul.u32 $0x4E2, s6  }
0x8: {  	_ =	strace $0x80000047;
	s31 =	sshrl.u32 s3, $0x1;
	s7 =	sor.u32 s8, s7  }
0x9: {  	s4 =	sadd.s32 s6, s4;
	s6 =	ssub.s32 s3, s31;
	s7 =	sshrl.u32 s7, $0x3  }
0xa: {  	s3 =	sadd.s32 $0xC000, s4;
	s8 =	simm.s32 $0x80;
	s4 =	sadd.s32 s5, s7  }
0xb: {  	v0 =	vimm.f32 $0.0e+00;
	v1 =	vimm.f32 $1.000000000e+00;
	s5 =	smax.u32 s6, $0x1;
	s6 =	simm.s32 $0x1;
	s7 =	simm.s32 $0x2780  }
.LBB2_1:
0xc: {  	[tilespmem:s2], [sflag:$0x1] =	stream.linear.gather [hbm4b:s3+s2], $0x2710, $0x38;
	[tilespmem:$0x4F00] =	vst v63  }
0xd: {  	_ =	swait.ge [sflag:s6], $0x2710  }
0xe: {  	[sflag:s6] =	ssyncset.done $0x0  }
0xf: {  	s11 =	simm.s32 $0x0;
	[sflag:s6] =	ssyncadd.s32 $0xFFFFD8F0  }
.LBB2_2:
0x10: {  	p0 =	sne.s32 s11, $0x9C00  }
.Ltmp0:
0x11: {  	_ = 	snop;
	(pc) =	sbr.rel @p0 .LBB2_2-.Ltmp0, $3  }
0x12: {  	_ =	sdelay $0x1  }
0x13: {  	s12 =	sshra.s32 s11, $0x2  }
0x14: {  	s11 =	sadd.s32 $0x40, s11;
	[tilespmem:s12+$0x2780] =	vst v0  }
0x15: {  	s12 =	simm.s32 $0x0;
	s11 =	simm.s32 $0x40  }
.LBB2_4:
0x16: {  	p0 =	sne.s32 s11, $0x9C00;
	v2 =	vld [tilespmem:s12+$0x0];
	_ =	sdelay $0x3  }
.Ltmp1:
0x17: {  	(pc) =	sbr.rel @p0 .LBB2_4-.Ltmp1, $2  }
0x18: {  	_ =	sdelay $0x2  }
0x19: {  	s12 =	sshra.s32 s11, $0x2;
	s11 =	sadd.s32 $0x40, s11;
	[tilespmem:v2+s7+$0x0] =	vst.idx.add.f32.msk $0xffff, v1  }
0x1a: {  	v2 =	vld [tilespmem:s12+$0x0];
	_ =	sdelay $0x5  }
0x1b: {  	s10 =	sadd.s32 $0x1, s10  }
0x1c: {  	p0 =	sne.s32 s10, s5  }
.Ltmp2:
0x1d: {  	[tilespmem:v2+s7+$0x0] =	vst.idx.add.f32.msk $0xffff, v1;
	(pc) =	sbr.rel @p0 .LBB2_1-.Ltmp2, $4  }
0x1e: {  	[hbm4b:s4+s8] =	stream.strided.scatter [tilespmem:s7], [sflag:$0x1], $0x2780, s9, s8, $0x38;
	[tilespmem:$0x4F00] =	vst v63  }
0x1f: {  	_ =	swait.ge [sflag:s6], $0x2780  }
0x20: {  	[sflag:s6] =	ssyncset.done $0x0  }
0x21: {  	[sflag:s6] =	ssyncadd.s32 $0xFFFFD880  }
0x22: {  	_ =	sfence.sel $0x180000  }
0x23: {  	[bflag:$0x0] =	sbarrier.arrive $0xFFFF  }
0x24: {  	p0 =	sne.s32 s0, $0x0;
	_ =	strace $0x90000047  }
0x25: {  	s0 =	sadd.s32 @!p0 $0x100000, s1;
	[bflag:$0x2] =	sbarrier.arrive $0xFFFF  }
0x26: {  	[sflag:s0] =	ssyncadd.tile.s32 @!p0 $0x1;
	_ =	shalt  }
.Lfunc_end2:
_tile_overlayer_lowered:
.L_overlay_start_2:
0x27: {  	(tag) =	ssettag $0x2  }
0x28: {  	s0 =	rddreg [dreg:$0x0];
	s2 =	stileid.u32  }
0x29: {  	s1 =	rddreg [dreg:$0x1];
	p0 =	sne.s32 s2, $0x0  }
0x2a: {  	s3 =	rddreg [dreg:$0x2];
	[bflag:$0x3] =	sbarrier.arrive $0xFFFF;
	s2 =	simm.s32 @!p0 $0x1C01  }
0x2b: {  	[timem:s3], [sflag:s2] =	dma.local @!p0 [hbm:s0], s1  }
0x2c: {  	s0 =	simm.s32 @!p0 $0x1  }
0x2d: {  	_ =	swait.ge @!p0 [sflag:s0], s1  }
0x2e: {  	s1 =	ssub.s32 @!p0 $0x0, s1;
	[sflag:s0] =	ssyncset.done @!p0 $0x0  }
0x2f: {  	[sflag:s0] =	ssyncadd.s32 @!p0 s1  }
0x30: {  	[bflag:$0x3] =	sbarrier.arrive $0xFFFF  }
0x31: {  	_ =	shalt  }

</sc_bundles>
